<compile_context>
chip_gen: v7x
topology: tpu7x:2x2x1
jax: 0.10.2.dev20260603
libtpu: 0.0.44.dev20260713+nightly
codegen_flags: <defaults>
</compile_context>

<pallas_src>
import functools

import jax
import jax.numpy as jnp
from jax import lax
from jax.experimental import pallas as pl
from jax.experimental.pallas import tpu as pltpu
from jax.experimental.pallas import tpu_sc as plsc

N = 100000
NP = 100352
E = 6400000
NC, NS = 2, 16
NW = NC * NS
EPW = E // NW
CH = 10000
NIT = EPW // CH
CHH = CH // 2
RPW = NP // NS

_MESH = dict(core_axis_name="c", subcore_axis_name="s",
             num_cores=NC, num_subcores=NS)
_CP = pltpu.CompilerParams(use_tc_tiling_on_sc=False)


def _worker(c, s):
    return c * NS + s



def _sc_deg(dst, zeros_n, ones_c):

    @functools.partial(
        pl.kernel,
        out_type=jax.ShapeDtypeStruct((NC * NP,), jnp.float32),
        mesh=plsc.VectorSubcoreMesh(**_MESH),
        compiler_params=_CP,
        scratch_types=[
            pltpu.VMEM_SHARED((NP,), jnp.float32),
            pltpu.VMEM((CHH,), jnp.int32),
            pltpu.VMEM((CHH,), jnp.int32),
            pltpu.VMEM((CHH,), jnp.float32),
            pltpu.SemaphoreType.DMA,
            pltpu.SemaphoreType.DMA,
        ],
    )
    def run(dst_h, z_h, ones_h, out_h, deg_sp, ia_v, ib_v, ones_v,
            sa, sb):
        c = lax.axis_index("c")
        s = lax.axis_index("s")
        w = _worker(c, s)
        pltpu.sync_copy(z_h.at[pl.ds(s * RPW, RPW)],
                        deg_sp.at[pl.ds(s * RPW, RPW)])
        pltpu.sync_copy(ones_h, ones_v)
        plsc.subcore_barrier()

        def body(i, carry):
            base = w * EPW + i * CH
            pltpu.sync_copy(dst_h.at[pl.ds(base, CHH)], ia_v)
            da = pltpu.async_copy(ones_v, deg_sp.at[ia_v], sa, add=True)
            pltpu.sync_copy(dst_h.at[pl.ds(base + CHH, CHH)], ib_v)
            db = pltpu.async_copy(ones_v, deg_sp.at[ib_v], sb, add=True)
            da.wait()
            db.wait()
            return carry

        lax.fori_loop(0, NIT, body, 0)
        plsc.subcore_barrier()
        pltpu.sync_copy(deg_sp.at[pl.ds(s * RPW, RPW)],
                        out_h.at[pl.ds(c * NP + s * RPW, RPW)])

    return run(dst, zeros_n, ones_c)


def _sc_agg3(src, dst, y0, y1, y2, zeros_n):

    @functools.partial(
        pl.kernel,
        out_type=[jax.ShapeDtypeStruct((NC * NP,), jnp.float32)] * 3,
        mesh=plsc.VectorSubcoreMesh(**_MESH),
        compiler_params=_CP,
        scratch_types=(
            [pltpu.VMEM_SHARED((NP,), jnp.float32)] * 6
            + [pltpu.VMEM((CH,), jnp.int32)] * 2
            + [pltpu.VMEM((CH,), jnp.float32)] * 3
            + [pltpu.SemaphoreType.DMA] * 6
        ),
    )
    def run(src_h, dst_h, y0_h, y1_h, y2_h, z_h, o0_h, o1_h, o2_h,
            y0_sp, y1_sp, y2_sp, a0_sp, a1_sp, a2_sp,
            si_v, di_v, v0_v, v1_v, v2_v,
            sg0, sg1, sg2, ss0, ss1, ss2):
        c = lax.axis_index("c")
        s = lax.axis_index("s")
        w = _worker(c, s)
        sl = pl.ds(s * RPW, RPW)
        pltpu.sync_copy(y0_h.at[sl], y0_sp.at[sl])
        pltpu.sync_copy(y1_h.at[sl], y1_sp.at[sl])
        pltpu.sync_copy(y2_h.at[sl], y2_sp.at[sl])
        pltpu.sync_copy(z_h.at[sl], a0_sp.at[sl])
        pltpu.sync_copy(z_h.at[sl], a1_sp.at[sl])
        pltpu.sync_copy(z_h.at[sl], a2_sp.at[sl])
        plsc.subcore_barrier()

        def body(i, carry):
            base = w * EPW + i * CH
            pltpu.sync_copy(src_h.at[pl.ds(base, CH)], si_v)
            pltpu.sync_copy(dst_h.at[pl.ds(base, CH)], di_v)
            g0 = pltpu.async_copy(y0_sp.at[si_v], v0_v, sg0)
            g1 = pltpu.async_copy(y1_sp.at[si_v], v1_v, sg1)
            g2 = pltpu.async_copy(y2_sp.at[si_v], v2_v, sg2)
            g0.wait()
            s0 = pltpu.async_copy(v0_v, a0_sp.at[di_v], ss0, add=True)
            g1.wait()
            s1 = pltpu.async_copy(v1_v, a1_sp.at[di_v], ss1, add=True)
            g2.wait()
            s2 = pltpu.async_copy(v2_v, a2_sp.at[di_v], ss2, add=True)
            s0.wait()
            s1.wait()
            s2.wait()
            return carry

        lax.fori_loop(0, NIT, body, 0)
        plsc.subcore_barrier()
        osl = pl.ds(c * NP + s * RPW, RPW)
        pltpu.sync_copy(a0_sp.at[sl], o0_h.at[osl])
        pltpu.sync_copy(a1_sp.at[sl], o1_h.at[osl])
        pltpu.sync_copy(a2_sp.at[sl], o2_h.at[osl])

    return run(src, dst, y0, y1, y2, zeros_n)


def _sc_agg1(src, dst, q, zeros_n):

    @functools.partial(
        pl.kernel,
        out_type=jax.ShapeDtypeStruct((NC * NP,), jnp.float32),
        mesh=plsc.VectorSubcoreMesh(**_MESH),
        compiler_params=_CP,
        scratch_types=[
            pltpu.VMEM_SHARED((NP,), jnp.float32),
            pltpu.VMEM_SHARED((NP,), jnp.float32),
            pltpu.VMEM((CHH,), jnp.int32),
            pltpu.VMEM((CHH,), jnp.int32),
            pltpu.VMEM((CHH,), jnp.int32),
            pltpu.VMEM((CHH,), jnp.int32),
            pltpu.VMEM((CHH,), jnp.float32),
            pltpu.VMEM((CHH,), jnp.float32),
            pltpu.SemaphoreType.DMA,
            pltpu.SemaphoreType.DMA,
            pltpu.SemaphoreType.DMA,
            pltpu.SemaphoreType.DMA,
        ],
    )
    def run(src_h, dst_h, q_h, z_h, out_h, q_sp, agg_sp,
            sia_v, dia_v, sib_v, dib_v, va_v, vb_v,
            sga, sgb, ssa, ssb):
        c = lax.axis_index("c")
        s = lax.axis_index("s")
        w = _worker(c, s)
        sl = pl.ds(s * RPW, RPW)
        pltpu.sync_copy(q_h.at[sl], q_sp.at[sl])
        pltpu.sync_copy(z_h.at[sl], agg_sp.at[sl])
        plsc.subcore_barrier()

        def body(i, carry):
            base = w * EPW + i * CH
            pltpu.sync_copy(src_h.at[pl.ds(base, CHH)], sia_v)
            ga = pltpu.async_copy(q_sp.at[sia_v], va_v, sga)
            pltpu.sync_copy(dst_h.at[pl.ds(base, CHH)], dia_v)
            pltpu.sync_copy(src_h.at[pl.ds(base + CHH, CHH)], sib_v)
            gb = pltpu.async_copy(q_sp.at[sib_v], vb_v, sgb)
            ga.wait()
            sa = pltpu.async_copy(va_v, agg_sp.at[dia_v], ssa, add=True)
            pltpu.sync_copy(dst_h.at[pl.ds(base + CHH, CHH)], dib_v)
            gb.wait()
            sb = pltpu.async_copy(vb_v, agg_sp.at[dib_v], ssb, add=True)
            sa.wait()
            sb.wait()
            return carry

        lax.fori_loop(0, NIT, body, 0)
        plsc.subcore_barrier()
        pltpu.sync_copy(agg_sp.at[sl],
                        out_h.at[pl.ds(c * NP + s * RPW, RPW)])

    return run(src, dst, q, zeros_n)



_TB = 6272
_TG = NP // _TB


def _col_spec():
    return pl.BlockSpec((1, _TB), lambda i: (0, i))


def _full_spec(shape):
    return pl.BlockSpec(shape, lambda i: tuple(0 for _ in shape))


def _tc_prep(d0, d1, x0, x1, x2):
    def body(d0_r, d1_r, x0_r, x1_r, x2_r, y0_o, y1_o, y2_o, dis_o):
        deg = d0_r[...] + d1_r[...] + 1.0
        dis = lax.rsqrt(deg)
        dis_o[...] = dis
        y0_o[...] = x0_r[...] * dis
        y1_o[...] = x1_r[...] * dis
        y2_o[...] = x2_r[...] * dis

    return pl.pallas_call(
        body,
        grid=(_TG,),
        in_specs=[_col_spec()] * 5,
        out_specs=[_col_spec()] * 4,
        out_shape=[jax.ShapeDtypeStruct((1, NP), jnp.float32)] * 4,
    )(d0, d1, x0, x1, x2)


def _tc_mid(a00, a01, a10, a11, a20, a21, y0, y1, y2, dis, w1t, b1c, w2t):
    def body(a00_r, a01_r, a10_r, a11_r, a20_r, a21_r,
             y0_r, y1_r, y2_r, dis_r, w1_r, b1_r, w2_r, qs_o):
        z0 = (a00_r[...] + a01_r[...] + y0_r[...]) * dis_r[...]
        z1 = (a10_r[...] + a11_r[...] + y1_r[...]) * dis_r[...]
        z2 = (a20_r[...] + a21_r[...] + y2_r[...]) * dis_r[...]
        z = jnp.concatenate([z0, z1, z2], axis=0)
        h = jnp.dot(w1_r[...], z, preferred_element_type=jnp.float32)
        h = jnp.maximum(h + b1_r[...], 0.0)
        q = jnp.dot(w2_r[...], h, preferred_element_type=jnp.float32)
        qs_o[...] = q * dis_r[...]

    return pl.pallas_call(
        body,
        grid=(_TG,),
        in_specs=[_col_spec()] * 10 + [_full_spec((16, 3)),
                                       _full_spec((16, 1)),
                                       _full_spec((1, 16))],
        out_specs=_col_spec(),
        out_shape=jax.ShapeDtypeStruct((1, NP), jnp.float32),
    )(a00, a01, a10, a11, a20, a21, y0, y1, y2, dis, w1t, b1c, w2t)


def _tc_final(aq0, aq1, qs, dis, b2r):
    def body(aq0_r, aq1_r, qs_r, dis_r, b2_r, o_r):
        o_r[...] = (aq0_r[...] + aq1_r[...] + qs_r[...]) * dis_r[...] + b2_r[...]

    return pl.pallas_call(
        body,
        grid=(_TG,),
        in_specs=[_col_spec()] * 4 + [_full_spec((1, 1))],
        out_specs=_col_spec(),
        out_shape=jax.ShapeDtypeStruct((1, NP), jnp.float32),
    )(aq0, aq1, qs, dis, b2r)



def kernel(x, edge_index, W1, b1, W2, b2):
    src = edge_index[0]
    dst = edge_index[1]

    xp = jnp.zeros((NP, 3), jnp.float32).at[:N].set(x)
    x0 = xp[:, 0].reshape(1, NP)
    x1 = xp[:, 1].reshape(1, NP)
    x2 = xp[:, 2].reshape(1, NP)
    w1t = W1.T
    b1c = b1.reshape(16, 1)
    w2t = W2.T
    b2r = b2.reshape(1, 1)
    zeros_n = jnp.zeros((NP,), jnp.float32)
    ones_c = jnp.ones((CHH,), jnp.float32)

    degp = _sc_deg(dst, zeros_n, ones_c)
    y0, y1, y2, dis = _tc_prep(degp[:NP].reshape(1, NP),
                               degp[NP:].reshape(1, NP), x0, x1, x2)
    a0, a1, a2 = _sc_agg3(src, dst, y0.reshape(NP), y1.reshape(NP),
                          y2.reshape(NP), zeros_n)
    qs = _tc_mid(a0[:NP].reshape(1, NP), a0[NP:].reshape(1, NP),
                 a1[:NP].reshape(1, NP), a1[NP:].reshape(1, NP),
                 a2[:NP].reshape(1, NP), a2[NP:].reshape(1, NP),
                 y0, y1, y2, dis, w1t, b1c, w2t)
    aggqp = _sc_agg1(src, dst, qs.reshape(NP), zeros_n)
    out = _tc_final(aggqp[:NP].reshape(1, NP), aggqp[NP:].reshape(1, NP),
                    qs, dis, b2r)
    return out.reshape(NP, 1)[:N]

# --- scband reference (transcript-rebuilt; emitter-appended) ---
"""Pipeline reference for scband-gcn-two-layers-19602230739361 (READ-ONLY COPY).

The authoritative reference and input builder live on the scoring server;
editing this copy changes nothing except your own understanding.
"""

import jax, jax.numpy as jnp
import numpy as np

N_NODES = 100000
N_EDGES = 6400000


def setup_inputs(seed: int = 0) -> dict:
    key = jax.random.key(seed)
    k1, k2, k3, k4 = jax.random.split(key, 4)
    x = jax.random.normal(k1, (N_NODES, 3), dtype=jnp.float32)
    edge_index = jax.random.randint(k2, (2, N_EDGES), 0, N_NODES, dtype=jnp.int32)
    W1 = jax.random.normal(k3, (3, 16), dtype=jnp.float32) * (1.0 / np.sqrt(3.0))
    b1 = jnp.zeros((16,), dtype=jnp.float32)
    W2 = jax.random.normal(k4, (16, 1), dtype=jnp.float32) * (1.0 / np.sqrt(16.0))
    b2 = jnp.zeros((1,), dtype=jnp.float32)
    return {"x": x, "edge_index": edge_index, "W1": W1, "b1": b1, "W2": W2, "b2": b2}


def _gcn_conv(x, edge_index, W, b):
    # Faithful PyG GCNConv: add self-loops, symmetric normalization, linear, scatter-add, bias.
    N = x.shape[0]
    loops = jnp.arange(N, dtype=edge_index.dtype)
    src = jnp.concatenate([edge_index[0], loops])
    dst = jnp.concatenate([edge_index[1], loops])
    deg = jnp.zeros((N,), dtype=x.dtype).at[dst].add(1.0)
    deg_inv_sqrt = jnp.where(deg > 0, 1.0 / jnp.sqrt(deg), 0.0)
    norm = deg_inv_sqrt[src] * deg_inv_sqrt[dst]
    h = x @ W
    msg = h[src] * norm[:, None]
    out = jnp.zeros((N, W.shape[1]), dtype=x.dtype).at[dst].add(msg)
    return out + b


def reference(x, edge_index, W1, b1, W2, b2):
    h = _gcn_conv(x, edge_index, W1, b1)
    h = jax.nn.relu(h)
    return _gcn_conv(h, edge_index, W2, b2)

if __name__ == "__main__":
    import jax
    _d = setup_inputs()
    print(jax.jit(kernel)(*tuple(_d.values())))

</pallas_src>

<mosaic_0001>
#map = affine_map<(d0, d1) -> (0)>
module attributes {stable_mosaic.version = 14 : i64} {
  func.func @run(%arg0: i32, %arg1: i32, %arg2: memref<6400000xi32, #tpu.memory_space<hbm>>, %arg3: memref<6400000xi32, #tpu.memory_space<hbm>>, %arg4: memref<100352xf32, #tpu.memory_space<hbm>>, %arg5: memref<100352xf32, #tpu.memory_space<hbm>>, %arg6: memref<100352xf32, #tpu.memory_space<hbm>>, %arg7: memref<100352xf32, #tpu.memory_space<hbm>>, %arg8: memref<200704xf32, #tpu.memory_space<hbm>>, %arg9: memref<200704xf32, #tpu.memory_space<hbm>>, %arg10: memref<200704xf32, #tpu.memory_space<hbm>>, %arg11: memref<100352xf32, #tpu.memory_space<vmem_shared>>, %arg12: memref<100352xf32, #tpu.memory_space<vmem_shared>>, %arg13: memref<100352xf32, #tpu.memory_space<vmem_shared>>, %arg14: memref<100352xf32, #tpu.memory_space<vmem_shared>>, %arg15: memref<100352xf32, #tpu.memory_space<vmem_shared>>, %arg16: memref<100352xf32, #tpu.memory_space<vmem_shared>>, %arg17: memref<10000xi32, #tpu.memory_space<vmem>>, %arg18: memref<10000xi32, #tpu.memory_space<vmem>>, %arg19: memref<10000xf32, #tpu.memory_space<vmem>>, %arg20: memref<10000xf32, #tpu.memory_space<vmem>>, %arg21: memref<10000xf32, #tpu.memory_space<vmem>>, %arg22: memref<!tpu.dma_semaphore, #tpu.memory_space<semaphore_mem>>, %arg23: memref<!tpu.dma_semaphore, #tpu.memory_space<semaphore_mem>>, %arg24: memref<!tpu.dma_semaphore, #tpu.memory_space<semaphore_mem>>, %arg25: memref<!tpu.dma_semaphore, #tpu.memory_space<semaphore_mem>>, %arg26: memref<!tpu.dma_semaphore, #tpu.memory_space<semaphore_mem>>, %arg27: memref<!tpu.dma_semaphore, #tpu.memory_space<semaphore_mem>>) attributes {dimension_semantics = [#tpu.dimension_semantics<core_parallel>, #tpu.dimension_semantics<subcore_parallel>], iteration_bounds = array<i64: 2, 16>, scalar_prefetch = 0 : i64, scratch_operands = 17 : i64, tpu.core_type = #tpu.core_type<sc_vector_subcore>, window_params = [{transform_indices = #map}, {transform_indices = #map}, {transform_indices = #map}, {transform_indices = #map}, {transform_indices = #map}, {transform_indices = #map}, {transform_indices = #map}, {transform_indices = #map}, {transform_indices = #map}]} {
    %mul3A = arith.constant 16 : i32
    %mul3A_0 = arith.muli %arg0, %mul3A : i32
    %add3A = arith.addi %mul3A_0, %arg1 : i32
    %mul3A_1 = arith.constant 6272 : i32
    %mul3A_2 = arith.muli %arg1, %mul3A_1 : i32
    "tpu.region"() ({
      %run_scoped3A = tpu.sem_alloc : memref<!tpu.dma_semaphore, #tpu.memory_space<semaphore_mem>>
      %dma_start3A = tpu.memref_slice %arg11[%mul3A_2] : memref<100352xf32, #tpu.memory_space<vmem_shared>> -> memref<6272xf32, #tpu.memory_space<vmem_shared>>
      %dma_start3A_14 = tpu.memref_slice %arg4[%mul3A_2] : memref<100352xf32, #tpu.memory_space<hbm>> -> memref<6272xf32, #tpu.memory_space<hbm>>
      tpu.enqueue_dma source(%dma_start3A_14 : memref<6272xf32, #tpu.memory_space<hbm>>) target(%dma_start3A : memref<6272xf32, #tpu.memory_space<vmem_shared>>) target_semaphore(%run_scoped3A : memref<!tpu.dma_semaphore, #tpu.memory_space<semaphore_mem>>)
      %dma_wait3A = tpu.memref_slice %arg11[%mul3A_2] : memref<100352xf32, #tpu.memory_space<vmem_shared>> -> memref<6272xf32, #tpu.memory_space<vmem_shared>>
      %dma_wait3A_15 = tpu.memref_slice %arg4[%mul3A_2] : memref<100352xf32, #tpu.memory_space<hbm>> -> memref<6272xf32, #tpu.memory_space<hbm>>
      tpu.wait_dma2 semaphore(%run_scoped3A : memref<!tpu.dma_semaphore, #tpu.memory_space<semaphore_mem>>) src(%dma_wait3A_15 : memref<6272xf32, #tpu.memory_space<hbm>>) dst(%dma_wait3A : memref<6272xf32, #tpu.memory_space<vmem_shared>>)
      tpu.yield
    }) : () -> ()
    "tpu.region"() ({
      %run_scoped3A = tpu.sem_alloc : memref<!tpu.dma_semaphore, #tpu.memory_space<semaphore_mem>>
      %dma_start3A = tpu.memref_slice %arg12[%mul3A_2] : memref<100352xf32, #tpu.memory_space<vmem_shared>> -> memref<6272xf32, #tpu.memory_space<vmem_shared>>
      %dma_start3A_14 = tpu.memref_slice %arg5[%mul3A_2] : memref<100352xf32, #tpu.memory_space<hbm>> -> memref<6272xf32, #tpu.memory_space<hbm>>
      tpu.enqueue_dma source(%dma_start3A_14 : memref<6272xf32, #tpu.memory_space<hbm>>) target(%dma_start3A : memref<6272xf32, #tpu.memory_space<vmem_shared>>) target_semaphore(%run_scoped3A : memref<!tpu.dma_semaphore, #tpu.memory_space<semaphore_mem>>)
      %dma_wait3A = tpu.memref_slice %arg12[%mul3A_2] : memref<100352xf32, #tpu.memory_space<vmem_shared>> -> memref<6272xf32, #tpu.memory_space<vmem_shared>>
      %dma_wait3A_15 = tpu.memref_slice %arg5[%mul3A_2] : memref<100352xf32, #tpu.memory_space<hbm>> -> memref<6272xf32, #tpu.memory_space<hbm>>
      tpu.wait_dma2 semaphore(%run_scoped3A : memref<!tpu.dma_semaphore, #tpu.memory_space<semaphore_mem>>) src(%dma_wait3A_15 : memref<6272xf32, #tpu.memory_space<hbm>>) dst(%dma_wait3A : memref<6272xf32, #tpu.memory_space<vmem_shared>>)
      tpu.yield
    }) : () -> ()
    "tpu.region"() ({
      %run_scoped3A = tpu.sem_alloc : memref<!tpu.dma_semaphore, #tpu.memory_space<semaphore_mem>>
      %dma_start3A = tpu.memref_slice %arg13[%mul3A_2] : memref<100352xf32, #tpu.memory_space<vmem_shared>> -> memref<6272xf32, #tpu.memory_space<vmem_shared>>
      %dma_start3A_14 = tpu.memref_slice %arg6[%mul3A_2] : memref<100352xf32, #tpu.memory_space<hbm>> -> memref<6272xf32, #tpu.memory_space<hbm>>
      tpu.enqueue_dma source(%dma_start3A_14 : memref<6272xf32, #tpu.memory_space<hbm>>) target(%dma_start3A : memref<6272xf32, #tpu.memory_space<vmem_shared>>) target_semaphore(%run_scoped3A : memref<!tpu.dma_semaphore, #tpu.memory_space<semaphore_mem>>)
      %dma_wait3A = tpu.memref_slice %arg13[%mul3A_2] : memref<100352xf32, #tpu.memory_space<vmem_shared>> -> memref<6272xf32, #tpu.memory_space<vmem_shared>>
      %dma_wait3A_15 = tpu.memref_slice %arg6[%mul3A_2] : memref<100352xf32, #tpu.memory_space<hbm>> -> memref<6272xf32, #tpu.memory_space<hbm>>
      tpu.wait_dma2 semaphore(%run_scoped3A : memref<!tpu.dma_semaphore, #tpu.memory_space<semaphore_mem>>) src(%dma_wait3A_15 : memref<6272xf32, #tpu.memory_space<hbm>>) dst(%dma_wait3A : memref<6272xf32, #tpu.memory_space<vmem_shared>>)
      tpu.yield
    }) : () -> ()
    "tpu.region"() ({
      %run_scoped3A = tpu.sem_alloc : memref<!tpu.dma_semaphore, #tpu.memory_space<semaphore_mem>>
      %dma_start3A = tpu.memref_slice %arg14[%mul3A_2] : memref<100352xf32, #tpu.memory_space<vmem_shared>> -> memref<6272xf32, #tpu.memory_space<vmem_shared>>
      %dma_start3A_14 = tpu.memref_slice %arg7[%mul3A_2] : memref<100352xf32, #tpu.memory_space<hbm>> -> memref<6272xf32, #tpu.memory_space<hbm>>
      tpu.enqueue_dma source(%dma_start3A_14 : memref<6272xf32, #tpu.memory_space<hbm>>) target(%dma_start3A : memref<6272xf32, #tpu.memory_space<vmem_shared>>) target_semaphore(%run_scoped3A : memref<!tpu.dma_semaphore, #tpu.memory_space<semaphore_mem>>)
      %dma_wait3A = tpu.memref_slice %arg14[%mul3A_2] : memref<100352xf32, #tpu.memory_space<vmem_shared>> -> memref<6272xf32, #tpu.memory_space<vmem_shared>>
      %dma_wait3A_15 = tpu.memref_slice %arg7[%mul3A_2] : memref<100352xf32, #tpu.memory_space<hbm>> -> memref<6272xf32, #tpu.memory_space<hbm>>
      tpu.wait_dma2 semaphore(%run_scoped3A : memref<!tpu.dma_semaphore, #tpu.memory_space<semaphore_mem>>) src(%dma_wait3A_15 : memref<6272xf32, #tpu.memory_space<hbm>>) dst(%dma_wait3A : memref<6272xf32, #tpu.memory_space<vmem_shared>>)
      tpu.yield
    }) : () -> ()
    "tpu.region"() ({
      %run_scoped3A = tpu.sem_alloc : memref<!tpu.dma_semaphore, #tpu.memory_space<semaphore_mem>>
      %dma_start3A = tpu.memref_slice %arg15[%mul3A_2] : memref<100352xf32, #tpu.memory_space<vmem_shared>> -> memref<6272xf32, #tpu.memory_space<vmem_shared>>
      %dma_start3A_14 = tpu.memref_slice %arg7[%mul3A_2] : memref<100352xf32, #tpu.memory_space<hbm>> -> memref<6272xf32, #tpu.memory_space<hbm>>
      tpu.enqueue_dma source(%dma_start3A_14 : memref<6272xf32, #tpu.memory_space<hbm>>) target(%dma_start3A : memref<6272xf32, #tpu.memory_space<vmem_shared>>) target_semaphore(%run_scoped3A : memref<!tpu.dma_semaphore, #tpu.memory_space<semaphore_mem>>)
      %dma_wait3A = tpu.memref_slice %arg15[%mul3A_2] : memref<100352xf32, #tpu.memory_space<vmem_shared>> -> memref<6272xf32, #tpu.memory_space<vmem_shared>>
      %dma_wait3A_15 = tpu.memref_slice %arg7[%mul3A_2] : memref<100352xf32, #tpu.memory_space<hbm>> -> memref<6272xf32, #tpu.memory_space<hbm>>
      tpu.wait_dma2 semaphore(%run_scoped3A : memref<!tpu.dma_semaphore, #tpu.memory_space<semaphore_mem>>) src(%dma_wait3A_15 : memref<6272xf32, #tpu.memory_space<hbm>>) dst(%dma_wait3A : memref<6272xf32, #tpu.memory_space<vmem_shared>>)
      tpu.yield
    }) : () -> ()
    "tpu.region"() ({
      %run_scoped3A = tpu.sem_alloc : memref<!tpu.dma_semaphore, #tpu.memory_space<semaphore_mem>>
      %dma_start3A = tpu.memref_slice %arg16[%mul3A_2] : memref<100352xf32, #tpu.memory_space<vmem_shared>> -> memref<6272xf32, #tpu.memory_space<vmem_shared>>
      %dma_start3A_14 = tpu.memref_slice %arg7[%mul3A_2] : memref<100352xf32, #tpu.memory_space<hbm>> -> memref<6272xf32, #tpu.memory_space<hbm>>
      tpu.enqueue_dma source(%dma_start3A_14 : memref<6272xf32, #tpu.memory_space<hbm>>) target(%dma_start3A : memref<6272xf32, #tpu.memory_space<vmem_shared>>) target_semaphore(%run_scoped3A : memref<!tpu.dma_semaphore, #tpu.memory_space<semaphore_mem>>)
      %dma_wait3A = tpu.memref_slice %arg16[%mul3A_2] : memref<100352xf32, #tpu.memory_space<vmem_shared>> -> memref<6272xf32, #tpu.memory_space<vmem_shared>>
      %dma_wait3A_15 = tpu.memref_slice %arg7[%mul3A_2] : memref<100352xf32, #tpu.memory_space<hbm>> -> memref<6272xf32, #tpu.memory_space<hbm>>
      tpu.wait_dma2 semaphore(%run_scoped3A : memref<!tpu.dma_semaphore, #tpu.memory_space<semaphore_mem>>) src(%dma_wait3A_15 : memref<6272xf32, #tpu.memory_space<hbm>>) dst(%dma_wait3A : memref<6272xf32, #tpu.memory_space<vmem_shared>>)
      tpu.yield
    }) : () -> ()
    %barrier3A = arith.constant 0 : index
    tpu.barrier barrier_id(%barrier3A)
    %scan3A = arith.constant 0 : i32
    %scan3A_3 = arith.constant 0 : i32
    %scan3A_4 = arith.constant 20 : i32
    %scan3A_5 = arith.addi %scan3A_3, %scan3A_4 : i32
    %scan3A_6 = arith.constant 1 : i32
    scf.for %scan3A_14 = %scan3A_3 to %scan3A_5 step %scan3A_6  : i32 {
      %mul3A_15 = arith.constant 200000 : i32
      %mul3A_16 = arith.muli %add3A, %mul3A_15 : i32
      %mul3A_17 = arith.constant 10000 : i32
      %mul3A_18 = arith.muli %scan3A_14, %mul3A_17 : i32
      %add3A_19 = arith.addi %mul3A_16, %mul3A_18 : i32
      "tpu.region"() ({
        %run_scoped3A = tpu.sem_alloc : memref<!tpu.dma_semaphore, #tpu.memory_space<semaphore_mem>>
        %dma_start3A_42 = tpu.memref_slice %arg2[%add3A_19] : memref<6400000xi32, #tpu.memory_space<hbm>> -> memref<10000xi32, #tpu.memory_space<hbm>>
        %dma_start3A_43 = tpu.memref_slice %arg2[%add3A_19] : memref<6400000xi32, #tpu.memory_space<hbm>> -> memref<10000xi32, #tpu.memory_space<hbm>>
        tpu.enqueue_dma source(%dma_start3A_43 : memref<10000xi32, #tpu.memory_space<hbm>>) target(%arg17 : memref<10000xi32, #tpu.memory_space<vmem>>) target_semaphore(%run_scoped3A : memref<!tpu.dma_semaphore, #tpu.memory_space<semaphore_mem>>)
        %dma_wait3A_44 = tpu.memref_slice %arg2[%add3A_19] : memref<6400000xi32, #tpu.memory_space<hbm>> -> memref<10000xi32, #tpu.memory_space<hbm>>
        %dma_wait3A_45 = tpu.memref_slice %arg2[%add3A_19] : memref<6400000xi32, #tpu.memory_space<hbm>> -> memref<10000xi32, #tpu.memory_space<hbm>>
        tpu.wait_dma2 semaphore(%run_scoped3A : memref<!tpu.dma_semaphore, #tpu.memory_space<semaphore_mem>>) src(%dma_wait3A_45 : memref<10000xi32, #tpu.memory_space<hbm>>) dst(%arg17 : memref<10000xi32, #tpu.memory_space<vmem>>)
        tpu.yield
      }) : () -> ()
      "tpu.region"() ({
        %run_scoped3A = tpu.sem_alloc : memref<!tpu.dma_semaphore, #tpu.memory_space<semaphore_mem>>
        %dma_start3A_42 = tpu.memref_slice %arg3[%add3A_19] : memref<6400000xi32, #tpu.memory_space<hbm>> -> memref<10000xi32, #tpu.memory_space<hbm>>
        %dma_start3A_43 = tpu.memref_slice %arg3[%add3A_19] : memref<6400000xi32, #tpu.memory_space<hbm>> -> memref<10000xi32, #tpu.memory_space<hbm>>
        tpu.enqueue_dma source(%dma_start3A_43 : memref<10000xi32, #tpu.memory_space<hbm>>) target(%arg18 : memref<10000xi32, #tpu.memory_space<vmem>>) target_semaphore(%run_scoped3A : memref<!tpu.dma_semaphore, #tpu.memory_space<semaphore_mem>>)
        %dma_wait3A_44 = tpu.memref_slice %arg3[%add3A_19] : memref<6400000xi32, #tpu.memory_space<hbm>> -> memref<10000xi32, #tpu.memory_space<hbm>>
        %dma_wait3A_45 = tpu.memref_slice %arg3[%add3A_19] : memref<6400000xi32, #tpu.memory_space<hbm>> -> memref<10000xi32, #tpu.memory_space<hbm>>
        tpu.wait_dma2 semaphore(%run_scoped3A : memref<!tpu.dma_semaphore, #tpu.memory_space<semaphore_mem>>) src(%dma_wait3A_45 : memref<10000xi32, #tpu.memory_space<hbm>>) dst(%arg18 : memref<10000xi32, #tpu.memory_space<vmem>>)
        tpu.yield
      }) : () -> ()
      %dma_start3A = arith.constant 0 : i32
      %dma_start3A_20 = tpu.memref_slice %arg11[%dma_start3A] : memref<100352xf32, #tpu.memory_space<vmem_shared>> -> memref<100352xf32, #tpu.memory_space<vmem_shared>>
      tpu.enqueue_indirect_dma source(%dma_start3A_20 : memref<100352xf32, #tpu.memory_space<vmem_shared>>) target(%arg19 : memref<10000xf32, #tpu.memory_space<vmem>>) offsets(%arg17 : memref<10000xi32, #tpu.memory_space<vmem>>) semaphore(%arg22 : memref<!tpu.dma_semaphore, #tpu.memory_space<semaphore_mem>>)
      %dma_start3A_21 = arith.constant 0 : i32
      %dma_start3A_22 = tpu.memref_slice %arg12[%dma_start3A_21] : memref<100352xf32, #tpu.memory_space<vmem_shared>> -> memref<100352xf32, #tpu.memory_space<vmem_shared>>
      tpu.enqueue_indirect_dma source(%dma_start3A_22 : memref<100352xf32, #tpu.memory_space<vmem_shared>>) target(%arg20 : memref<10000xf32, #tpu.memory_space<vmem>>) offsets(%arg17 : memref<10000xi32, #tpu.memory_space<vmem>>) semaphore(%arg23 : memref<!tpu.dma_semaphore, #tpu.memory_space<semaphore_mem>>)
      %dma_start3A_23 = arith.constant 0 : i32
      %dma_start3A_24 = tpu.memref_slice %arg13[%dma_start3A_23] : memref<100352xf32, #tpu.memory_space<vmem_shared>> -> memref<100352xf32, #tpu.memory_space<vmem_shared>>
      tpu.enqueue_indirect_dma source(%dma_start3A_24 : memref<100352xf32, #tpu.memory_space<vmem_shared>>) target(%arg21 : memref<10000xf32, #tpu.memory_space<vmem>>) offsets(%arg17 : memref<10000xi32, #tpu.memory_space<vmem>>) semaphore(%arg24 : memref<!tpu.dma_semaphore, #tpu.memory_space<semaphore_mem>>)
      %dma_wait3A = arith.constant 0 : i32
      %dma_wait3A_25 = tpu.memref_slice %arg11[%dma_wait3A] : memref<100352xf32, #tpu.memory_space<vmem_shared>> -> memref<100352xf32, #tpu.memory_space<vmem_shared>>
      tpu.wait_indirect_dma semaphore(%arg22 : memref<!tpu.dma_semaphore, #tpu.memory_space<semaphore_mem>>) src(%dma_wait3A_25 : memref<100352xf32, #tpu.memory_space<vmem_shared>>) dst(%arg19 : memref<10000xf32, #tpu.memory_space<vmem>>)
      %dma_start3A_26 = arith.constant 0 : i32
      %dma_start3A_27 = tpu.memref_slice %arg14[%dma_start3A_26] : memref<100352xf32, #tpu.memory_space<vmem_shared>> -> memref<100352xf32, #tpu.memory_space<vmem_shared>>
      tpu.enqueue_indirect_dma source(%arg19 : memref<10000xf32, #tpu.memory_space<vmem>>) target(%dma_start3A_27 : memref<100352xf32, #tpu.memory_space<vmem_shared>>) offsets(%arg18 : memref<10000xi32, #tpu.memory_space<vmem>>) semaphore(%arg25 : memref<!tpu.dma_semaphore, #tpu.memory_space<semaphore_mem>>) {add = true}
      %dma_wait3A_28 = arith.constant 0 : i32
      %dma_wait3A_29 = tpu.memref_slice %arg12[%dma_wait3A_28] : memref<100352xf32, #tpu.memory_space<vmem_shared>> -> memref<100352xf32, #tpu.memory_space<vmem_shared>>
      tpu.wait_indirect_dma semaphore(%arg23 : memref<!tpu.dma_semaphore, #tpu.memory_space<semaphore_mem>>) src(%dma_wait3A_29 : memref<100352xf32, #tpu.memory_space<vmem_shared>>) dst(%arg20 : memref<10000xf32, #tpu.memory_space<vmem>>)
      %dma_start3A_30 = arith.constant 0 : i32
      %dma_start3A_31 = tpu.memref_slice %arg15[%dma_start3A_30] : memref<100352xf32, #tpu.memory_space<vmem_shared>> -> memref<100352xf32, #tpu.memory_space<vmem_shared>>
      tpu.enqueue_indirect_dma source(%arg20 : memref<10000xf32, #tpu.memory_space<vmem>>) target(%dma_start3A_31 : memref<100352xf32, #tpu.memory_space<vmem_shared>>) offsets(%arg18 : memref<10000xi32, #tpu.memory_space<vmem>>) semaphore(%arg26 : memref<!tpu.dma_semaphore, #tpu.memory_space<semaphore_mem>>) {add = true}
      %dma_wait3A_32 = arith.constant 0 : i32
      %dma_wait3A_33 = tpu.memref_slice %arg13[%dma_wait3A_32] : memref<100352xf32, #tpu.memory_space<vmem_shared>> -> memref<100352xf32, #tpu.memory_space<vmem_shared>>
      tpu.wait_indirect_dma semaphore(%arg24 : memref<!tpu.dma_semaphore, #tpu.memory_space<semaphore_mem>>) src(%dma_wait3A_33 : memref<100352xf32, #tpu.memory_space<vmem_shared>>) dst(%arg21 : memref<10000xf32, #tpu.memory_space<vmem>>)
      %dma_start3A_34 = arith.constant 0 : i32
      %dma_start3A_35 = tpu.memref_slice %arg16[%dma_start3A_34] : memref<100352xf32, #tpu.memory_space<vmem_shared>> -> memref<100352xf32, #tpu.memory_space<vmem_shared>>
      tpu.enqueue_indirect_dma source(%arg21 : memref<10000xf32, #tpu.memory_space<vmem>>) target(%dma_start3A_35 : memref<100352xf32, #tpu.memory_space<vmem_shared>>) offsets(%arg18 : memref<10000xi32, #tpu.memory_space<vmem>>) semaphore(%arg27 : memref<!tpu.dma_semaphore, #tpu.memory_space<semaphore_mem>>) {add = true}
      %dma_wait3A_36 = arith.constant 0 : i32
      %dma_wait3A_37 = tpu.memref_slice %arg14[%dma_wait3A_36] : memref<100352xf32, #tpu.memory_space<vmem_shared>> -> memref<100352xf32, #tpu.memory_space<vmem_shared>>
      tpu.wait_indirect_dma semaphore(%arg25 : memref<!tpu.dma_semaphore, #tpu.memory_space<semaphore_mem>>) src(%arg19 : memref<10000xf32, #tpu.memory_space<vmem>>) dst(%dma_wait3A_37 : memref<100352xf32, #tpu.memory_space<vmem_shared>>)
      %dma_wait3A_38 = arith.constant 0 : i32
      %dma_wait3A_39 = tpu.memref_slice %arg15[%dma_wait3A_38] : memref<100352xf32, #tpu.memory_space<vmem_shared>> -> memref<100352xf32, #tpu.memory_space<vmem_shared>>
      tpu.wait_indirect_dma semaphore(%arg26 : memref<!tpu.dma_semaphore, #tpu.memory_space<semaphore_mem>>) src(%arg20 : memref<10000xf32, #tpu.memory_space<vmem>>) dst(%dma_wait3A_39 : memref<100352xf32, #tpu.memory_space<vmem_shared>>)
      %dma_wait3A_40 = arith.constant 0 : i32
      %dma_wait3A_41 = tpu.memref_slice %arg16[%dma_wait3A_40] : memref<100352xf32, #tpu.memory_space<vmem_shared>> -> memref<100352xf32, #tpu.memory_space<vmem_shared>>
      tpu.wait_indirect_dma semaphore(%arg27 : memref<!tpu.dma_semaphore, #tpu.memory_space<semaphore_mem>>) src(%arg21 : memref<10000xf32, #tpu.memory_space<vmem>>) dst(%dma_wait3A_41 : memref<100352xf32, #tpu.memory_space<vmem_shared>>)
    }
    %scan3A_7 = arith.constant 20 : i32
    %barrier3A_8 = arith.constant 0 : index
    tpu.barrier barrier_id(%barrier3A_8)
    %mul3A_9 = arith.constant 100352 : i32
    %mul3A_10 = arith.muli %arg0, %mul3A_9 : i32
    %mul3A_11 = arith.constant 6272 : i32
    %mul3A_12 = arith.muli %arg1, %mul3A_11 : i32
    %add3A_13 = arith.addi %mul3A_10, %mul3A_12 : i32
    "tpu.region"() ({
      %run_scoped3A = tpu.sem_alloc : memref<!tpu.dma_semaphore, #tpu.memory_space<semaphore_mem>>
      %dma_start3A = tpu.memref_slice %arg8[%add3A_13] : memref<200704xf32, #tpu.memory_space<hbm>> -> memref<6272xf32, #tpu.memory_space<hbm>>
      %dma_start3A_14 = tpu.memref_slice %arg14[%mul3A_2] : memref<100352xf32, #tpu.memory_space<vmem_shared>> -> memref<6272xf32, #tpu.memory_space<vmem_shared>>
      tpu.enqueue_dma source(%dma_start3A_14 : memref<6272xf32, #tpu.memory_space<vmem_shared>>) target(%dma_start3A : memref<6272xf32, #tpu.memory_space<hbm>>) target_semaphore(%run_scoped3A : memref<!tpu.dma_semaphore, #tpu.memory_space<semaphore_mem>>)
      %dma_wait3A = tpu.memref_slice %arg8[%add3A_13] : memref<200704xf32, #tpu.memory_space<hbm>> -> memref<6272xf32, #tpu.memory_space<hbm>>
      %dma_wait3A_15 = tpu.memref_slice %arg14[%mul3A_2] : memref<100352xf32, #tpu.memory_space<vmem_shared>> -> memref<6272xf32, #tpu.memory_space<vmem_shared>>
      tpu.wait_dma2 semaphore(%run_scoped3A : memref<!tpu.dma_semaphore, #tpu.memory_space<semaphore_mem>>) src(%dma_wait3A_15 : memref<6272xf32, #tpu.memory_space<vmem_shared>>) dst(%dma_wait3A : memref<6272xf32, #tpu.memory_space<hbm>>)
      tpu.yield
    }) : () -> ()
    "tpu.region"() ({
      %run_scoped3A = tpu.sem_alloc : memref<!tpu.dma_semaphore, #tpu.memory_space<semaphore_mem>>
      %dma_start3A = tpu.memref_slice %arg9[%add3A_13] : memref<200704xf32, #tpu.memory_space<hbm>> -> memref<6272xf32, #tpu.memory_space<hbm>>
      %dma_start3A_14 = tpu.memref_slice %arg15[%mul3A_2] : memref<100352xf32, #tpu.memory_space<vmem_shared>> -> memref<6272xf32, #tpu.memory_space<vmem_shared>>
      tpu.enqueue_dma source(%dma_start3A_14 : memref<6272xf32, #tpu.memory_space<vmem_shared>>) target(%dma_start3A : memref<6272xf32, #tpu.memory_space<hbm>>) target_semaphore(%run_scoped3A : memref<!tpu.dma_semaphore, #tpu.memory_space<semaphore_mem>>)
      %dma_wait3A = tpu.memref_slice %arg9[%add3A_13] : memref<200704xf32, #tpu.memory_space<hbm>> -> memref<6272xf32, #tpu.memory_space<hbm>>
      %dma_wait3A_15 = tpu.memref_slice %arg15[%mul3A_2] : memref<100352xf32, #tpu.memory_space<vmem_shared>> -> memref<6272xf32, #tpu.memory_space<vmem_shared>>
      tpu.wait_dma2 semaphore(%run_scoped3A : memref<!tpu.dma_semaphore, #tpu.memory_space<semaphore_mem>>) src(%dma_wait3A_15 : memref<6272xf32, #tpu.memory_space<vmem_shared>>) dst(%dma_wait3A : memref<6272xf32, #tpu.memory_space<hbm>>)
      tpu.yield
    }) : () -> ()
    "tpu.region"() ({
      %run_scoped3A = tpu.sem_alloc : memref<!tpu.dma_semaphore, #tpu.memory_space<semaphore_mem>>
      %dma_start3A = tpu.memref_slice %arg10[%add3A_13] : memref<200704xf32, #tpu.memory_space<hbm>> -> memref<6272xf32, #tpu.memory_space<hbm>>
      %dma_start3A_14 = tpu.memref_slice %arg16[%mul3A_2] : memref<100352xf32, #tpu.memory_space<vmem_shared>> -> memref<6272xf32, #tpu.memory_space<vmem_shared>>
      tpu.enqueue_dma source(%dma_start3A_14 : memref<6272xf32, #tpu.memory_space<vmem_shared>>) target(%dma_start3A : memref<6272xf32, #tpu.memory_space<hbm>>) target_semaphore(%run_scoped3A : memref<!tpu.dma_semaphore, #tpu.memory_space<semaphore_mem>>)
      %dma_wait3A = tpu.memref_slice %arg10[%add3A_13] : memref<200704xf32, #tpu.memory_space<hbm>> -> memref<6272xf32, #tpu.memory_space<hbm>>
      %dma_wait3A_15 = tpu.memref_slice %arg16[%mul3A_2] : memref<100352xf32, #tpu.memory_space<vmem_shared>> -> memref<6272xf32, #tpu.memory_space<vmem_shared>>
      tpu.wait_dma2 semaphore(%run_scoped3A : memref<!tpu.dma_semaphore, #tpu.memory_space<semaphore_mem>>) src(%dma_wait3A_15 : memref<6272xf32, #tpu.memory_space<vmem_shared>>) dst(%dma_wait3A : memref<6272xf32, #tpu.memory_space<hbm>>)
      tpu.yield
    }) : () -> ()
    return
  }
}

#map = affine_map<(d0, d1) -> (0)>
module attributes {stable_mosaic.version = 14 : i64} {
  func.func @run(%arg0: i32, %arg1: i32, %arg2: memref<6400000xi32, #tpu.memory_space<hbm>>, %arg3: memref<6400000xi32, #tpu.memory_space<hbm>>, %arg4: memref<100352xf32, #tpu.memory_space<hbm>>, %arg5: memref<100352xf32, #tpu.memory_space<hbm>>, %arg6: memref<200704xf32, #tpu.memory_space<hbm>>, %arg7: memref<100352xf32, #tpu.memory_space<vmem_shared>>, %arg8: memref<100352xf32, #tpu.memory_space<vmem_shared>>, %arg9: memref<5000xi32, #tpu.memory_space<vmem>>, %arg10: memref<5000xi32, #tpu.memory_space<vmem>>, %arg11: memref<5000xi32, #tpu.memory_space<vmem>>, %arg12: memref<5000xi32, #tpu.memory_space<vmem>>, %arg13: memref<5000xf32, #tpu.memory_space<vmem>>, %arg14: memref<5000xf32, #tpu.memory_space<vmem>>, %arg15: memref<!tpu.dma_semaphore, #tpu.memory_space<semaphore_mem>>, %arg16: memref<!tpu.dma_semaphore, #tpu.memory_space<semaphore_mem>>, %arg17: memref<!tpu.dma_semaphore, #tpu.memory_space<semaphore_mem>>, %arg18: memref<!tpu.dma_semaphore, #tpu.memory_space<semaphore_mem>>) attributes {dimension_semantics = [#tpu.dimension_semantics<core_parallel>, #tpu.dimension_semantics<subcore_parallel>], iteration_bounds = array<i64: 2, 16>, scalar_prefetch = 0 : i64, scratch_operands = 12 : i64, tpu.core_type = #tpu.core_type<sc_vector_subcore>, window_params = [{transform_indices = #map}, {transform_indices = #map}, {transform_indices = #map}, {transform_indices = #map}, {transform_indices = #map}]} {
    %mul3A = arith.constant 16 : i32
    %mul3A_0 = arith.muli %arg0, %mul3A : i32
    %add3A = arith.addi %mul3A_0, %arg1 : i32
    %mul3A_1 = arith.constant 6272 : i32
    %mul3A_2 = arith.muli %arg1, %mul3A_1 : i32
    "tpu.region"() ({
      %run_scoped3A = tpu.sem_alloc : memref<!tpu.dma_semaphore, #tpu.memory_space<semaphore_mem>>
      %dma_start3A = tpu.memref_slice %arg7[%mul3A_2] : memref<100352xf32, #tpu.memory_space<vmem_shared>> -> memref<6272xf32, #tpu.memory_space<vmem_shared>>
      %dma_start3A_14 = tpu.memref_slice %arg4[%mul3A_2] : memref<100352xf32, #tpu.memory_space<hbm>> -> memref<6272xf32, #tpu.memory_space<hbm>>
      tpu.enqueue_dma source(%dma_start3A_14 : memref<6272xf32, #tpu.memory_space<hbm>>) target(%dma_start3A : memref<6272xf32, #tpu.memory_space<vmem_shared>>) target_semaphore(%run_scoped3A : memref<!tpu.dma_semaphore, #tpu.memory_space<semaphore_mem>>)
      %dma_wait3A = tpu.memref_slice %arg7[%mul3A_2] : memref<100352xf32, #tpu.memory_space<vmem_shared>> -> memref<6272xf32, #tpu.memory_space<vmem_shared>>
      %dma_wait3A_15 = tpu.memref_slice %arg4[%mul3A_2] : memref<100352xf32, #tpu.memory_space<hbm>> -> memref<6272xf32, #tpu.memory_space<hbm>>
      tpu.wait_dma2 semaphore(%run_scoped3A : memref<!tpu.dma_semaphore, #tpu.memory_space<semaphore_mem>>) src(%dma_wait3A_15 : memref<6272xf32, #tpu.memory_space<hbm>>) dst(%dma_wait3A : memref<6272xf32, #tpu.memory_space<vmem_shared>>)
      tpu.yield
    }) : () -> ()
    "tpu.region"() ({
      %run_scoped3A = tpu.sem_alloc : memref<!tpu.dma_semaphore, #tpu.memory_space<semaphore_mem>>
      %dma_start3A = tpu.memref_slice %arg8[%mul3A_2] : memref<100352xf32, #tpu.memory_space<vmem_shared>> -> memref<6272xf32, #tpu.memory_space<vmem_shared>>
      %dma_start3A_14 = tpu.memref_slice %arg5[%mul3A_2] : memref<100352xf32, #tpu.memory_space<hbm>> -> memref<6272xf32, #tpu.memory_space<hbm>>
      tpu.enqueue_dma source(%dma_start3A_14 : memref<6272xf32, #tpu.memory_space<hbm>>) target(%dma_start3A : memref<6272xf32, #tpu.memory_space<vmem_shared>>) target_semaphore(%run_scoped3A : memref<!tpu.dma_semaphore, #tpu.memory_space<semaphore_mem>>)
      %dma_wait3A = tpu.memref_slice %arg8[%mul3A_2] : memref<100352xf32, #tpu.memory_space<vmem_shared>> -> memref<6272xf32, #tpu.memory_space<vmem_shared>>
      %dma_wait3A_15 = tpu.memref_slice %arg5[%mul3A_2] : memref<100352xf32, #tpu.memory_space<hbm>> -> memref<6272xf32, #tpu.memory_space<hbm>>
      tpu.wait_dma2 semaphore(%run_scoped3A : memref<!tpu.dma_semaphore, #tpu.memory_space<semaphore_mem>>) src(%dma_wait3A_15 : memref<6272xf32, #tpu.memory_space<hbm>>) dst(%dma_wait3A : memref<6272xf32, #tpu.memory_space<vmem_shared>>)
      tpu.yield
    }) : () -> ()
    %barrier3A = arith.constant 0 : index
    tpu.barrier barrier_id(%barrier3A)
    %scan3A = arith.constant 0 : i32
    %scan3A_3 = arith.constant 0 : i32
    %scan3A_4 = arith.constant 20 : i32
    %scan3A_5 = arith.addi %scan3A_3, %scan3A_4 : i32
    %scan3A_6 = arith.constant 1 : i32
    scf.for %scan3A_14 = %scan3A_3 to %scan3A_5 step %scan3A_6  : i32 {
      %mul3A_15 = arith.constant 200000 : i32
      %mul3A_16 = arith.muli %add3A, %mul3A_15 : i32
      %mul3A_17 = arith.constant 10000 : i32
      %mul3A_18 = arith.muli %scan3A_14, %mul3A_17 : i32
      %add3A_19 = arith.addi %mul3A_16, %mul3A_18 : i32
      "tpu.region"() ({
        %run_scoped3A = tpu.sem_alloc : memref<!tpu.dma_semaphore, #tpu.memory_space<semaphore_mem>>
        %dma_start3A_38 = tpu.memref_slice %arg2[%add3A_19] : memref<6400000xi32, #tpu.memory_space<hbm>> -> memref<5000xi32, #tpu.memory_space<hbm>>
        %dma_start3A_39 = tpu.memref_slice %arg2[%add3A_19] : memref<6400000xi32, #tpu.memory_space<hbm>> -> memref<5000xi32, #tpu.memory_space<hbm>>
        tpu.enqueue_dma source(%dma_start3A_39 : memref<5000xi32, #tpu.memory_space<hbm>>) target(%arg9 : memref<5000xi32, #tpu.memory_space<vmem>>) target_semaphore(%run_scoped3A : memref<!tpu.dma_semaphore, #tpu.memory_space<semaphore_mem>>)
        %dma_wait3A_40 = tpu.memref_slice %arg2[%add3A_19] : memref<6400000xi32, #tpu.memory_space<hbm>> -> memref<5000xi32, #tpu.memory_space<hbm>>
        %dma_wait3A_41 = tpu.memref_slice %arg2[%add3A_19] : memref<6400000xi32, #tpu.memory_space<hbm>> -> memref<5000xi32, #tpu.memory_space<hbm>>
        tpu.wait_dma2 semaphore(%run_scoped3A : memref<!tpu.dma_semaphore, #tpu.memory_space<semaphore_mem>>) src(%dma_wait3A_41 : memref<5000xi32, #tpu.memory_space<hbm>>) dst(%arg9 : memref<5000xi32, #tpu.memory_space<vmem>>)
        tpu.yield
      }) : () -> ()
      %dma_start3A = arith.constant 0 : i32
      %dma_start3A_20 = tpu.memref_slice %arg7[%dma_start3A] : memref<100352xf32, #tpu.memory_space<vmem_shared>> -> memref<100352xf32, #tpu.memory_space<vmem_shared>>
      tpu.enqueue_indirect_dma source(%dma_start3A_20 : memref<100352xf32, #tpu.memory_space<vmem_shared>>) target(%arg13 : memref<5000xf32, #tpu.memory_space<vmem>>) offsets(%arg9 : memref<5000xi32, #tpu.memory_space<vmem>>) semaphore(%arg15 : memref<!tpu.dma_semaphore, #tpu.memory_space<semaphore_mem>>)
      "tpu.region"() ({
        %run_scoped3A = tpu.sem_alloc : memref<!tpu.dma_semaphore, #tpu.memory_space<semaphore_mem>>
        %dma_start3A_38 = tpu.memref_slice %arg3[%add3A_19] : memref<6400000xi32, #tpu.memory_space<hbm>> -> memref<5000xi32, #tpu.memory_space<hbm>>
        %dma_start3A_39 = tpu.memref_slice %arg3[%add3A_19] : memref<6400000xi32, #tpu.memory_space<hbm>> -> memref<5000xi32, #tpu.memory_space<hbm>>
        tpu.enqueue_dma source(%dma_start3A_39 : memref<5000xi32, #tpu.memory_space<hbm>>) target(%arg10 : memref<5000xi32, #tpu.memory_space<vmem>>) target_semaphore(%run_scoped3A : memref<!tpu.dma_semaphore, #tpu.memory_space<semaphore_mem>>)
        %dma_wait3A_40 = tpu.memref_slice %arg3[%add3A_19] : memref<6400000xi32, #tpu.memory_space<hbm>> -> memref<5000xi32, #tpu.memory_space<hbm>>
        %dma_wait3A_41 = tpu.memref_slice %arg3[%add3A_19] : memref<6400000xi32, #tpu.memory_space<hbm>> -> memref<5000xi32, #tpu.memory_space<hbm>>
        tpu.wait_dma2 semaphore(%run_scoped3A : memref<!tpu.dma_semaphore, #tpu.memory_space<semaphore_mem>>) src(%dma_wait3A_41 : memref<5000xi32, #tpu.memory_space<hbm>>) dst(%arg10 : memref<5000xi32, #tpu.memory_space<vmem>>)
        tpu.yield
      }) : () -> ()
      %add3A_21 = arith.constant 5000 : i32
      %add3A_22 = arith.addi %add3A_19, %add3A_21 : i32
      "tpu.region"() ({
        %run_scoped3A = tpu.sem_alloc : memref<!tpu.dma_semaphore, #tpu.memory_space<semaphore_mem>>
        %dma_start3A_38 = tpu.memref_slice %arg2[%add3A_22] : memref<6400000xi32, #tpu.memory_space<hbm>> -> memref<5000xi32, #tpu.memory_space<hbm>>
        %dma_start3A_39 = tpu.memref_slice %arg2[%add3A_22] : memref<6400000xi32, #tpu.memory_space<hbm>> -> memref<5000xi32, #tpu.memory_space<hbm>>
        tpu.enqueue_dma source(%dma_start3A_39 : memref<5000xi32, #tpu.memory_space<hbm>>) target(%arg11 : memref<5000xi32, #tpu.memory_space<vmem>>) target_semaphore(%run_scoped3A : memref<!tpu.dma_semaphore, #tpu.memory_space<semaphore_mem>>)
        %dma_wait3A_40 = tpu.memref_slice %arg2[%add3A_22] : memref<6400000xi32, #tpu.memory_space<hbm>> -> memref<5000xi32, #tpu.memory_space<hbm>>
        %dma_wait3A_41 = tpu.memref_slice %arg2[%add3A_22] : memref<6400000xi32, #tpu.memory_space<hbm>> -> memref<5000xi32, #tpu.memory_space<hbm>>
        tpu.wait_dma2 semaphore(%run_scoped3A : memref<!tpu.dma_semaphore, #tpu.memory_space<semaphore_mem>>) src(%dma_wait3A_41 : memref<5000xi32, #tpu.memory_space<hbm>>) dst(%arg11 : memref<5000xi32, #tpu.memory_space<vmem>>)
        tpu.yield
      }) : () -> ()
      %dma_start3A_23 = arith.constant 0 : i32
      %dma_start3A_24 = tpu.memref_slice %arg7[%dma_start3A_23] : memref<100352xf32, #tpu.memory_space<vmem_shared>> -> memref<100352xf32, #tpu.memory_space<vmem_shared>>
      tpu.enqueue_indirect_dma source(%dma_start3A_24 : memref<100352xf32, #tpu.memory_space<vmem_shared>>) target(%arg14 : memref<5000xf32, #tpu.memory_space<vmem>>) offsets(%arg11 : memref<5000xi32, #tpu.memory_space<vmem>>) semaphore(%arg16 : memref<!tpu.dma_semaphore, #tpu.memory_space<semaphore_mem>>)
      %dma_wait3A = arith.constant 0 : i32
      %dma_wait3A_25 = tpu.memref_slice %arg7[%dma_wait3A] : memref<100352xf32, #tpu.memory_space<vmem_shared>> -> memref<100352xf32, #tpu.memory_space<vmem_shared>>
      tpu.wait_indirect_dma semaphore(%arg15 : memref<!tpu.dma_semaphore, #tpu.memory_space<semaphore_mem>>) src(%dma_wait3A_25 : memref<100352xf32, #tpu.memory_space<vmem_shared>>) dst(%arg13 : memref<5000xf32, #tpu.memory_space<vmem>>)
      %dma_start3A_26 = arith.constant 0 : i32
      %dma_start3A_27 = tpu.memref_slice %arg8[%dma_start3A_26] : memref<100352xf32, #tpu.memory_space<vmem_shared>> -> memref<100352xf32, #tpu.memory_space<vmem_shared>>
      tpu.enqueue_indirect_dma source(%arg13 : memref<5000xf32, #tpu.memory_space<vmem>>) target(%dma_start3A_27 : memref<100352xf32, #tpu.memory_space<vmem_shared>>) offsets(%arg10 : memref<5000xi32, #tpu.memory_space<vmem>>) semaphore(%arg17 : memref<!tpu.dma_semaphore, #tpu.memory_space<semaphore_mem>>) {add = true}
      %add3A_28 = arith.constant 5000 : i32
      %add3A_29 = arith.addi %add3A_19, %add3A_28 : i32
      "tpu.region"() ({
        %run_scoped3A = tpu.sem_alloc : memref<!tpu.dma_semaphore, #tpu.memory_space<semaphore_mem>>
        %dma_start3A_38 = tpu.memref_slice %arg3[%add3A_29] : memref<6400000xi32, #tpu.memory_space<hbm>> -> memref<5000xi32, #tpu.memory_space<hbm>>
        %dma_start3A_39 = tpu.memref_slice %arg3[%add3A_29] : memref<6400000xi32, #tpu.memory_space<hbm>> -> memref<5000xi32, #tpu.memory_space<hbm>>
        tpu.enqueue_dma source(%dma_start3A_39 : memref<5000xi32, #tpu.memory_space<hbm>>) target(%arg12 : memref<5000xi32, #tpu.memory_space<vmem>>) target_semaphore(%run_scoped3A : memref<!tpu.dma_semaphore, #tpu.memory_space<semaphore_mem>>)
        %dma_wait3A_40 = tpu.memref_slice %arg3[%add3A_29] : memref<6400000xi32, #tpu.memory_space<hbm>> -> memref<5000xi32, #tpu.memory_space<hbm>>
        %dma_wait3A_41 = tpu.memref_slice %arg3[%add3A_29] : memref<6400000xi32, #tpu.memory_space<hbm>> -> memref<5000xi32, #tpu.memory_space<hbm>>
        tpu.wait_dma2 semaphore(%run_scoped3A : memref<!tpu.dma_semaphore, #tpu.memory_space<semaphore_mem>>) src(%dma_wait3A_41 : memref<5000xi32, #tpu.memory_space<hbm>>) dst(%arg12 : memref<5000xi32, #tpu.memory_space<vmem>>)
        tpu.yield
      }) : () -> ()
      %dma_wait3A_30 = arith.constant 0 : i32
      %dma_wait3A_31 = tpu.memref_slice %arg7[%dma_wait3A_30] : memref<100352xf32, #tpu.memory_space<vmem_shared>> -> memref<100352xf32, #tpu.memory_space<vmem_shared>>
      tpu.wait_indirect_dma semaphore(%arg16 : memref<!tpu.dma_semaphore, #tpu.memory_space<semaphore_mem>>) src(%dma_wait3A_31 : memref<100352xf32, #tpu.memory_space<vmem_shared>>) dst(%arg14 : memref<5000xf32, #tpu.memory_space<vmem>>)
      %dma_start3A_32 = arith.constant 0 : i32
      %dma_start3A_33 = tpu.memref_slice %arg8[%dma_start3A_32] : memref<100352xf32, #tpu.memory_space<vmem_shared>> -> memref<100352xf32, #tpu.memory_space<vmem_shared>>
      tpu.enqueue_indirect_dma source(%arg14 : memref<5000xf32, #tpu.memory_space<vmem>>) target(%dma_start3A_33 : memref<100352xf32, #tpu.memory_space<vmem_shared>>) offsets(%arg12 : memref<5000xi32, #tpu.memory_space<vmem>>) semaphore(%arg18 : memref<!tpu.dma_semaphore, #tpu.memory_space<semaphore_mem>>) {add = true}
      %dma_wait3A_34 = arith.constant 0 : i32
      %dma_wait3A_35 = tpu.memref_slice %arg8[%dma_wait3A_34] : memref<100352xf32, #tpu.memory_space<vmem_shared>> -> memref<100352xf32, #tpu.memory_space<vmem_shared>>
      tpu.wait_indirect_dma semaphore(%arg17 : memref<!tpu.dma_semaphore, #tpu.memory_space<semaphore_mem>>) src(%arg13 : memref<5000xf32, #tpu.memory_space<vmem>>) dst(%dma_wait3A_35 : memref<100352xf32, #tpu.memory_space<vmem_shared>>)
      %dma_wait3A_36 = arith.constant 0 : i32
      %dma_wait3A_37 = tpu.memref_slice %arg8[%dma_wait3A_36] : memref<100352xf32, #tpu.memory_space<vmem_shared>> -> memref<100352xf32, #tpu.memory_space<vmem_shared>>
      tpu.wait_indirect_dma semaphore(%arg18 : memref<!tpu.dma_semaphore, #tpu.memory_space<semaphore_mem>>) src(%arg14 : memref<5000xf32, #tpu.memory_space<vmem>>) dst(%dma_wait3A_37 : memref<100352xf32, #tpu.memory_space<vmem_shared>>)
    }
    %scan3A_7 = arith.constant 20 : i32
    %barrier3A_8 = arith.constant 0 : index
    tpu.barrier barrier_id(%barrier3A_8)
    %mul3A_9 = arith.constant 100352 : i32
    %mul3A_10 = arith.muli %arg0, %mul3A_9 : i32
    %mul3A_11 = arith.constant 6272 : i32
    %mul3A_12 = arith.muli %arg1, %mul3A_11 : i32
    %add3A_13 = arith.addi %mul3A_10, %mul3A_12 : i32
    "tpu.region"() ({
      %run_scoped3A = tpu.sem_alloc : memref<!tpu.dma_semaphore, #tpu.memory_space<semaphore_mem>>
      %dma_start3A = tpu.memref_slice %arg6[%add3A_13] : memref<200704xf32, #tpu.memory_space<hbm>> -> memref<6272xf32, #tpu.memory_space<hbm>>
      %dma_start3A_14 = tpu.memref_slice %arg8[%mul3A_2] : memref<100352xf32, #tpu.memory_space<vmem_shared>> -> memref<6272xf32, #tpu.memory_space<vmem_shared>>
      tpu.enqueue_dma source(%dma_start3A_14 : memref<6272xf32, #tpu.memory_space<vmem_shared>>) target(%dma_start3A : memref<6272xf32, #tpu.memory_space<hbm>>) target_semaphore(%run_scoped3A : memref<!tpu.dma_semaphore, #tpu.memory_space<semaphore_mem>>)
      %dma_wait3A = tpu.memref_slice %arg6[%add3A_13] : memref<200704xf32, #tpu.memory_space<hbm>> -> memref<6272xf32, #tpu.memory_space<hbm>>
      %dma_wait3A_15 = tpu.memref_slice %arg8[%mul3A_2] : memref<100352xf32, #tpu.memory_space<vmem_shared>> -> memref<6272xf32, #tpu.memory_space<vmem_shared>>
      tpu.wait_dma2 semaphore(%run_scoped3A : memref<!tpu.dma_semaphore, #tpu.memory_space<semaphore_mem>>) src(%dma_wait3A_15 : memref<6272xf32, #tpu.memory_space<vmem_shared>>) dst(%dma_wait3A : memref<6272xf32, #tpu.memory_space<hbm>>)
      tpu.yield
    }) : () -> ()
    return
  }
}

#map = affine_map<(d0, d1) -> (0)>
module attributes {stable_mosaic.version = 14 : i64} {
  func.func @run(%arg0: i32, %arg1: i32, %arg2: memref<6400000xi32, #tpu.memory_space<hbm>>, %arg3: memref<100352xf32, #tpu.memory_space<hbm>>, %arg4: memref<5000xf32, #tpu.memory_space<hbm>>, %arg5: memref<200704xf32, #tpu.memory_space<hbm>>, %arg6: memref<100352xf32, #tpu.memory_space<vmem_shared>>, %arg7: memref<5000xi32, #tpu.memory_space<vmem>>, %arg8: memref<5000xi32, #tpu.memory_space<vmem>>, %arg9: memref<5000xf32, #tpu.memory_space<vmem>>, %arg10: memref<!tpu.dma_semaphore, #tpu.memory_space<semaphore_mem>>, %arg11: memref<!tpu.dma_semaphore, #tpu.memory_space<semaphore_mem>>) attributes {dimension_semantics = [#tpu.dimension_semantics<core_parallel>, #tpu.dimension_semantics<subcore_parallel>], iteration_bounds = array<i64: 2, 16>, scalar_prefetch = 0 : i64, scratch_operands = 6 : i64, tpu.core_type = #tpu.core_type<sc_vector_subcore>, window_params = [{transform_indices = #map}, {transform_indices = #map}, {transform_indices = #map}, {transform_indices = #map}]} {
    %mul3A = arith.constant 16 : i32
    %mul3A_0 = arith.muli %arg0, %mul3A : i32
    %add3A = arith.addi %mul3A_0, %arg1 : i32
    %mul3A_1 = arith.constant 6272 : i32
    %mul3A_2 = arith.muli %arg1, %mul3A_1 : i32
    %mul3A_3 = arith.constant 6272 : i32
    %mul3A_4 = arith.muli %arg1, %mul3A_3 : i32
    "tpu.region"() ({
      %run_scoped3A = tpu.sem_alloc : memref<!tpu.dma_semaphore, #tpu.memory_space<semaphore_mem>>
      %dma_start3A = tpu.memref_slice %arg6[%mul3A_4] : memref<100352xf32, #tpu.memory_space<vmem_shared>> -> memref<6272xf32, #tpu.memory_space<vmem_shared>>
      %dma_start3A_18 = tpu.memref_slice %arg3[%mul3A_2] : memref<100352xf32, #tpu.memory_space<hbm>> -> memref<6272xf32, #tpu.memory_space<hbm>>
      tpu.enqueue_dma source(%dma_start3A_18 : memref<6272xf32, #tpu.memory_space<hbm>>) target(%dma_start3A : memref<6272xf32, #tpu.memory_space<vmem_shared>>) target_semaphore(%run_scoped3A : memref<!tpu.dma_semaphore, #tpu.memory_space<semaphore_mem>>)
      %dma_wait3A = tpu.memref_slice %arg6[%mul3A_4] : memref<100352xf32, #tpu.memory_space<vmem_shared>> -> memref<6272xf32, #tpu.memory_space<vmem_shared>>
      %dma_wait3A_19 = tpu.memref_slice %arg3[%mul3A_2] : memref<100352xf32, #tpu.memory_space<hbm>> -> memref<6272xf32, #tpu.memory_space<hbm>>
      tpu.wait_dma2 semaphore(%run_scoped3A : memref<!tpu.dma_semaphore, #tpu.memory_space<semaphore_mem>>) src(%dma_wait3A_19 : memref<6272xf32, #tpu.memory_space<hbm>>) dst(%dma_wait3A : memref<6272xf32, #tpu.memory_space<vmem_shared>>)
      tpu.yield
    }) : () -> ()
    "tpu.region"() ({
      %run_scoped3A = tpu.sem_alloc : memref<!tpu.dma_semaphore, #tpu.memory_space<semaphore_mem>>
      tpu.enqueue_dma source(%arg4 : memref<5000xf32, #tpu.memory_space<hbm>>) target(%arg9 : memref<5000xf32, #tpu.memory_space<vmem>>) target_semaphore(%run_scoped3A : memref<!tpu.dma_semaphore, #tpu.memory_space<semaphore_mem>>)
      tpu.wait_dma2 semaphore(%run_scoped3A : memref<!tpu.dma_semaphore, #tpu.memory_space<semaphore_mem>>) src(%arg4 : memref<5000xf32, #tpu.memory_space<hbm>>) dst(%arg9 : memref<5000xf32, #tpu.memory_space<vmem>>)
      tpu.yield
    }) : () -> ()
    %barrier3A = arith.constant 0 : index
    tpu.barrier barrier_id(%barrier3A)
    %scan3A = arith.constant 0 : i32
    %scan3A_5 = arith.constant 0 : i32
    %scan3A_6 = arith.constant 20 : i32
    %scan3A_7 = arith.addi %scan3A_5, %scan3A_6 : i32
    %scan3A_8 = arith.constant 1 : i32
    scf.for %scan3A_18 = %scan3A_5 to %scan3A_7 step %scan3A_8  : i32 {
      %mul3A_19 = arith.constant 200000 : i32
      %mul3A_20 = arith.muli %add3A, %mul3A_19 : i32
      %mul3A_21 = arith.constant 10000 : i32
      %mul3A_22 = arith.muli %scan3A_18, %mul3A_21 : i32
      %add3A_23 = arith.addi %mul3A_20, %mul3A_22 : i32
      "tpu.region"() ({
        %run_scoped3A = tpu.sem_alloc : memref<!tpu.dma_semaphore, #tpu.memory_space<semaphore_mem>>
        %dma_start3A_32 = tpu.memref_slice %arg2[%add3A_23] : memref<6400000xi32, #tpu.memory_space<hbm>> -> memref<5000xi32, #tpu.memory_space<hbm>>
        %dma_start3A_33 = tpu.memref_slice %arg2[%add3A_23] : memref<6400000xi32, #tpu.memory_space<hbm>> -> memref<5000xi32, #tpu.memory_space<hbm>>
        tpu.enqueue_dma source(%dma_start3A_33 : memref<5000xi32, #tpu.memory_space<hbm>>) target(%arg7 : memref<5000xi32, #tpu.memory_space<vmem>>) target_semaphore(%run_scoped3A : memref<!tpu.dma_semaphore, #tpu.memory_space<semaphore_mem>>)
        %dma_wait3A_34 = tpu.memref_slice %arg2[%add3A_23] : memref<6400000xi32, #tpu.memory_space<hbm>> -> memref<5000xi32, #tpu.memory_space<hbm>>
        %dma_wait3A_35 = tpu.memref_slice %arg2[%add3A_23] : memref<6400000xi32, #tpu.memory_space<hbm>> -> memref<5000xi32, #tpu.memory_space<hbm>>
        tpu.wait_dma2 semaphore(%run_scoped3A : memref<!tpu.dma_semaphore, #tpu.memory_space<semaphore_mem>>) src(%dma_wait3A_35 : memref<5000xi32, #tpu.memory_space<hbm>>) dst(%arg7 : memref<5000xi32, #tpu.memory_space<vmem>>)
        tpu.yield
      }) : () -> ()
      %dma_start3A = arith.constant 0 : i32
      %dma_start3A_24 = tpu.memref_slice %arg6[%dma_start3A] : memref<100352xf32, #tpu.memory_space<vmem_shared>> -> memref<100352xf32, #tpu.memory_space<vmem_shared>>
      tpu.enqueue_indirect_dma source(%arg9 : memref<5000xf32, #tpu.memory_space<vmem>>) target(%dma_start3A_24 : memref<100352xf32, #tpu.memory_space<vmem_shared>>) offsets(%arg7 : memref<5000xi32, #tpu.memory_space<vmem>>) semaphore(%arg10 : memref<!tpu.dma_semaphore, #tpu.memory_space<semaphore_mem>>) {add = true}
      %add3A_25 = arith.constant 5000 : i32
      %add3A_26 = arith.addi %add3A_23, %add3A_25 : i32
      "tpu.region"() ({
        %run_scoped3A = tpu.sem_alloc : memref<!tpu.dma_semaphore, #tpu.memory_space<semaphore_mem>>
        %dma_start3A_32 = tpu.memref_slice %arg2[%add3A_26] : memref<6400000xi32, #tpu.memory_space<hbm>> -> memref<5000xi32, #tpu.memory_space<hbm>>
        %dma_start3A_33 = tpu.memref_slice %arg2[%add3A_26] : memref<6400000xi32, #tpu.memory_space<hbm>> -> memref<5000xi32, #tpu.memory_space<hbm>>
        tpu.enqueue_dma source(%dma_start3A_33 : memref<5000xi32, #tpu.memory_space<hbm>>) target(%arg8 : memref<5000xi32, #tpu.memory_space<vmem>>) target_semaphore(%run_scoped3A : memref<!tpu.dma_semaphore, #tpu.memory_space<semaphore_mem>>)
        %dma_wait3A_34 = tpu.memref_slice %arg2[%add3A_26] : memref<6400000xi32, #tpu.memory_space<hbm>> -> memref<5000xi32, #tpu.memory_space<hbm>>
        %dma_wait3A_35 = tpu.memref_slice %arg2[%add3A_26] : memref<6400000xi32, #tpu.memory_space<hbm>> -> memref<5000xi32, #tpu.memory_space<hbm>>
        tpu.wait_dma2 semaphore(%run_scoped3A : memref<!tpu.dma_semaphore, #tpu.memory_space<semaphore_mem>>) src(%dma_wait3A_35 : memref<5000xi32, #tpu.memory_space<hbm>>) dst(%arg8 : memref<5000xi32, #tpu.memory_space<vmem>>)
        tpu.yield
      }) : () -> ()
      %dma_start3A_27 = arith.constant 0 : i32
      %dma_start3A_28 = tpu.memref_slice %arg6[%dma_start3A_27] : memref<100352xf32, #tpu.memory_space<vmem_shared>> -> memref<100352xf32, #tpu.memory_space<vmem_shared>>
      tpu.enqueue_indirect_dma source(%arg9 : memref<5000xf32, #tpu.memory_space<vmem>>) target(%dma_start3A_28 : memref<100352xf32, #tpu.memory_space<vmem_shared>>) offsets(%arg8 : memref<5000xi32, #tpu.memory_space<vmem>>) semaphore(%arg11 : memref<!tpu.dma_semaphore, #tpu.memory_space<semaphore_mem>>) {add = true}
      %dma_wait3A = arith.constant 0 : i32
      %dma_wait3A_29 = tpu.memref_slice %arg6[%dma_wait3A] : memref<100352xf32, #tpu.memory_space<vmem_shared>> -> memref<100352xf32, #tpu.memory_space<vmem_shared>>
      tpu.wait_indirect_dma semaphore(%arg10 : memref<!tpu.dma_semaphore, #tpu.memory_space<semaphore_mem>>) src(%arg9 : memref<5000xf32, #tpu.memory_space<vmem>>) dst(%dma_wait3A_29 : memref<100352xf32, #tpu.memory_space<vmem_shared>>)
      %dma_wait3A_30 = arith.constant 0 : i32
      %dma_wait3A_31 = tpu.memref_slice %arg6[%dma_wait3A_30] : memref<100352xf32, #tpu.memory_space<vmem_shared>> -> memref<100352xf32, #tpu.memory_space<vmem_shared>>
      tpu.wait_indirect_dma semaphore(%arg11 : memref<!tpu.dma_semaphore, #tpu.memory_space<semaphore_mem>>) src(%arg9 : memref<5000xf32, #tpu.memory_space<vmem>>) dst(%dma_wait3A_31 : memref<100352xf32, #tpu.memory_space<vmem_shared>>)
    }
    %scan3A_9 = arith.constant 20 : i32
    %barrier3A_10 = arith.constant 0 : index
    tpu.barrier barrier_id(%barrier3A_10)
    %mul3A_11 = arith.constant 6272 : i32
    %mul3A_12 = arith.muli %arg1, %mul3A_11 : i32
    %mul3A_13 = arith.constant 100352 : i32
    %mul3A_14 = arith.muli %arg0, %mul3A_13 : i32
    %mul3A_15 = arith.constant 6272 : i32
    %mul3A_16 = arith.muli %arg1, %mul3A_15 : i32
    %add3A_17 = arith.addi %mul3A_14, %mul3A_16 : i32
    "tpu.region"() ({
      %run_scoped3A = tpu.sem_alloc : memref<!tpu.dma_semaphore, #tpu.memory_space<semaphore_mem>>
      %dma_start3A = tpu.memref_slice %arg5[%add3A_17] : memref<200704xf32, #tpu.memory_space<hbm>> -> memref<6272xf32, #tpu.memory_space<hbm>>
      %dma_start3A_18 = tpu.memref_slice %arg6[%mul3A_12] : memref<100352xf32, #tpu.memory_space<vmem_shared>> -> memref<6272xf32, #tpu.memory_space<vmem_shared>>
      tpu.enqueue_dma source(%dma_start3A_18 : memref<6272xf32, #tpu.memory_space<vmem_shared>>) target(%dma_start3A : memref<6272xf32, #tpu.memory_space<hbm>>) target_semaphore(%run_scoped3A : memref<!tpu.dma_semaphore, #tpu.memory_space<semaphore_mem>>)
      %dma_wait3A = tpu.memref_slice %arg5[%add3A_17] : memref<200704xf32, #tpu.memory_space<hbm>> -> memref<6272xf32, #tpu.memory_space<hbm>>
      %dma_wait3A_19 = tpu.memref_slice %arg6[%mul3A_12] : memref<100352xf32, #tpu.memory_space<vmem_shared>> -> memref<6272xf32, #tpu.memory_space<vmem_shared>>
      tpu.wait_dma2 semaphore(%run_scoped3A : memref<!tpu.dma_semaphore, #tpu.memory_space<semaphore_mem>>) src(%dma_wait3A_19 : memref<6272xf32, #tpu.memory_space<vmem_shared>>) dst(%dma_wait3A : memref<6272xf32, #tpu.memory_space<hbm>>)
      tpu.yield
    }) : () -> ()
    return
  }
}

module attributes {stable_mosaic.version = 14 : i64} {
  func.func @body(%arg0: i32, %arg1: memref<1x6272xf32, #tpu.memory_space<vmem>>, %arg2: memref<1x6272xf32, #tpu.memory_space<vmem>>, %arg3: memref<1x6272xf32, #tpu.memory_space<vmem>>, %arg4: memref<1x6272xf32, #tpu.memory_space<vmem>>, %arg5: memref<1x6272xf32, #tpu.memory_space<vmem>>, %arg6: memref<1x6272xf32, #tpu.memory_space<vmem>>, %arg7: memref<1x6272xf32, #tpu.memory_space<vmem>>, %arg8: memref<1x6272xf32, #tpu.memory_space<vmem>>, %arg9: memref<1x6272xf32, #tpu.memory_space<vmem>>) attributes {dimension_semantics = [#tpu.dimension_semantics<arbitrary>], iteration_bounds = array<i64: 16>, scalar_prefetch = 0 : i64, scratch_operands = 0 : i64, tpu.core_type = #tpu.core_type<tc>, window_params = [{transform_indices = @transform_0, window_bounds = array<i64: 1, 6272>}, {transform_indices = @transform_1, window_bounds = array<i64: 1, 6272>}, {transform_indices = @transform_2, window_bounds = array<i64: 1, 6272>}, {transform_indices = @transform_3, window_bounds = array<i64: 1, 6272>}, {transform_indices = @transform_4, window_bounds = array<i64: 1, 6272>}, {transform_indices = @transform_5, window_bounds = array<i64: 1, 6272>}, {transform_indices = @transform_6, window_bounds = array<i64: 1, 6272>}, {transform_indices = @transform_7, window_bounds = array<i64: 1, 6272>}, {transform_indices = @transform_8, window_bounds = array<i64: 1, 6272>}]} {
    %get3A = arith.constant 0 : index
    %get3A_0 = arith.constant 0 : index
    %get3A_1 = vector.load %arg1[%get3A, %get3A_0] : memref<1x6272xf32, #tpu.memory_space<vmem>>, vector<1x6272xf32>
    %get3A_2 = arith.constant 0 : index
    %get3A_3 = arith.constant 0 : index
    %get3A_4 = vector.load %arg2[%get3A_2, %get3A_3] : memref<1x6272xf32, #tpu.memory_space<vmem>>, vector<1x6272xf32>
    %add3A = arith.addf %get3A_1, %get3A_4 : vector<1x6272xf32>
    %add3A_5 = arith.constant 1.000000e+00 : f32
    %add3A_6 = vector.broadcast %add3A_5 : f32 to vector<1x6272xf32>
    %add3A_7 = arith.addf %add3A, %add3A_6 : vector<1x6272xf32>
    %rsqrt3A = math.rsqrt %add3A_7 : vector<1x6272xf32>
    %swap3A = arith.constant 0 : index
    %swap3A_8 = arith.constant 0 : index
    %swap3A_9 = vector.load %arg9[%swap3A, %swap3A_8] : memref<1x6272xf32, #tpu.memory_space<vmem>>, vector<1x6272xf32>
    tpu.vector_store %arg9[%swap3A, %swap3A_8], %rsqrt3A {strides = array<i32>} : memref<1x6272xf32, #tpu.memory_space<vmem>>, vector<1x6272xf32>,
    %get3A_10 = arith.constant 0 : index
    %get3A_11 = arith.constant 0 : index
    %get3A_12 = vector.load %arg3[%get3A_10, %get3A_11] : memref<1x6272xf32, #tpu.memory_space<vmem>>, vector<1x6272xf32>
    %mul3A = arith.mulf %get3A_12, %rsqrt3A : vector<1x6272xf32>
    %swap3A_13 = arith.constant 0 : index
    %swap3A_14 = arith.constant 0 : index
    %swap3A_15 = vector.load %arg6[%swap3A_13, %swap3A_14] : memref<1x6272xf32, #tpu.memory_space<vmem>>, vector<1x6272xf32>
    tpu.vector_store %arg6[%swap3A_13, %swap3A_14], %mul3A {strides = array<i32>} : memref<1x6272xf32, #tpu.memory_space<vmem>>, vector<1x6272xf32>,
    %get3A_16 = arith.constant 0 : index
    %get3A_17 = arith.constant 0 : index
    %get3A_18 = vector.load %arg4[%get3A_16, %get3A_17] : memref<1x6272xf32, #tpu.memory_space<vmem>>, vector<1x6272xf32>
    %mul3A_19 = arith.mulf %get3A_18, %rsqrt3A : vector<1x6272xf32>
    %swap3A_20 = arith.constant 0 : index
    %swap3A_21 = arith.constant 0 : index
    %swap3A_22 = vector.load %arg7[%swap3A_20, %swap3A_21] : memref<1x6272xf32, #tpu.memory_space<vmem>>, vector<1x6272xf32>
    tpu.vector_store %arg7[%swap3A_20, %swap3A_21], %mul3A_19 {strides = array<i32>} : memref<1x6272xf32, #tpu.memory_space<vmem>>, vector<1x6272xf32>,
    %get3A_23 = arith.constant 0 : index
    %get3A_24 = arith.constant 0 : index
    %get3A_25 = vector.load %arg5[%get3A_23, %get3A_24] : memref<1x6272xf32, #tpu.memory_space<vmem>>, vector<1x6272xf32>
    %mul3A_26 = arith.mulf %get3A_25, %rsqrt3A : vector<1x6272xf32>
    %swap3A_27 = arith.constant 0 : index
    %swap3A_28 = arith.constant 0 : index
    %swap3A_29 = vector.load %arg8[%swap3A_27, %swap3A_28] : memref<1x6272xf32, #tpu.memory_space<vmem>>, vector<1x6272xf32>
    tpu.vector_store %arg8[%swap3A_27, %swap3A_28], %mul3A_26 {strides = array<i32>} : memref<1x6272xf32, #tpu.memory_space<vmem>>, vector<1x6272xf32>,
    return
  }
  func.func @transform_0(%arg0: i32) -> (i32, i32) {
    %c0_i32 = arith.constant 0 : i32
    %c0_i32_0 = arith.constant 0 : i32
    return %c0_i32, %arg0 : i32, i32
  }
  func.func @transform_1(%arg0: i32) -> (i32, i32) {
    %c0_i32 = arith.constant 0 : i32
    %c0_i32_0 = arith.constant 0 : i32
    return %c0_i32, %arg0 : i32, i32
  }
  func.func @transform_2(%arg0: i32) -> (i32, i32) {
    %c0_i32 = arith.constant 0 : i32
    %c0_i32_0 = arith.constant 0 : i32
    return %c0_i32, %arg0 : i32, i32
  }
  func.func @transform_3(%arg0: i32) -> (i32, i32) {
    %c0_i32 = arith.constant 0 : i32
    %c0_i32_0 = arith.constant 0 : i32
    return %c0_i32, %arg0 : i32, i32
  }
  func.func @transform_4(%arg0: i32) -> (i32, i32) {
    %c0_i32 = arith.constant 0 : i32
    %c0_i32_0 = arith.constant 0 : i32
    return %c0_i32, %arg0 : i32, i32
  }
  func.func @transform_5(%arg0: i32) -> (i32, i32) {
    %c0_i32 = arith.constant 0 : i32
    %c0_i32_0 = arith.constant 0 : i32
    return %c0_i32, %arg0 : i32, i32
  }
  func.func @transform_6(%arg0: i32) -> (i32, i32) {
    %c0_i32 = arith.constant 0 : i32
    %c0_i32_0 = arith.constant 0 : i32
    return %c0_i32, %arg0 : i32, i32
  }
  func.func @transform_7(%arg0: i32) -> (i32, i32) {
    %c0_i32 = arith.constant 0 : i32
    %c0_i32_0 = arith.constant 0 : i32
    return %c0_i32, %arg0 : i32, i32
  }
  func.func @transform_8(%arg0: i32) -> (i32, i32) {
    %c0_i32 = arith.constant 0 : i32
    %c0_i32_0 = arith.constant 0 : i32
    return %c0_i32, %arg0 : i32, i32
  }
}

module attributes {stable_mosaic.version = 14 : i64} {
  func.func @body(%arg0: i32, %arg1: memref<1x6272xf32, #tpu.memory_space<vmem>>, %arg2: memref<1x6272xf32, #tpu.memory_space<vmem>>, %arg3: memref<1x6272xf32, #tpu.memory_space<vmem>>, %arg4: memref<1x6272xf32, #tpu.memory_space<vmem>>, %arg5: memref<1x6272xf32, #tpu.memory_space<vmem>>, %arg6: memref<1x6272xf32, #tpu.memory_space<vmem>>, %arg7: memref<1x6272xf32, #tpu.memory_space<vmem>>, %arg8: memref<1x6272xf32, #tpu.memory_space<vmem>>, %arg9: memref<1x6272xf32, #tpu.memory_space<vmem>>, %arg10: memref<1x6272xf32, #tpu.memory_space<vmem>>, %arg11: memref<16x3xf32, #tpu.memory_space<vmem>>, %arg12: memref<16x1xf32, #tpu.memory_space<vmem>>, %arg13: memref<1x16xf32, #tpu.memory_space<vmem>>, %arg14: memref<1x6272xf32, #tpu.memory_space<vmem>>) attributes {dimension_semantics = [#tpu.dimension_semantics<arbitrary>], iteration_bounds = array<i64: 16>, scalar_prefetch = 0 : i64, scratch_operands = 0 : i64, tpu.core_type = #tpu.core_type<tc>, window_params = [{transform_indices = @transform_0, window_bounds = array<i64: 1, 6272>}, {transform_indices = @transform_1, window_bounds = array<i64: 1, 6272>}, {transform_indices = @transform_2, window_bounds = array<i64: 1, 6272>}, {transform_indices = @transform_3, window_bounds = array<i64: 1, 6272>}, {transform_indices = @transform_4, window_bounds = array<i64: 1, 6272>}, {transform_indices = @transform_5, window_bounds = array<i64: 1, 6272>}, {transform_indices = @transform_6, window_bounds = array<i64: 1, 6272>}, {transform_indices = @transform_7, window_bounds = array<i64: 1, 6272>}, {transform_indices = @transform_8, window_bounds = array<i64: 1, 6272>}, {transform_indices = @transform_9, window_bounds = array<i64: 1, 6272>}, {pipeline_mode = #tpu.pipeline_mode<synchronous>, transform_indices = @transform_10, window_bounds = array<i64: 16, 3>}, {pipeline_mode = #tpu.pipeline_mode<synchronous>, transform_indices = @transform_11, window_bounds = array<i64: 16, 1>}, {pipeline_mode = #tpu.pipeline_mode<synchronous>, transform_indices = @transform_12, window_bounds = array<i64: 1, 16>}, {transform_indices = @transform_13, window_bounds = array<i64: 1, 6272>}]} {
    %get3A = arith.constant 0 : index
    %get3A_0 = arith.constant 0 : index
    %get3A_1 = vector.load %arg1[%get3A, %get3A_0] : memref<1x6272xf32, #tpu.memory_space<vmem>>, vector<1x6272xf32>
    %get3A_2 = arith.constant 0 : index
    %get3A_3 = arith.constant 0 : index
    %get3A_4 = vector.load %arg2[%get3A_2, %get3A_3] : memref<1x6272xf32, #tpu.memory_space<vmem>>, vector<1x6272xf32>
    %add3A = arith.addf %get3A_1, %get3A_4 : vector<1x6272xf32>
    %get3A_5 = arith.constant 0 : index
    %get3A_6 = arith.constant 0 : index
    %get3A_7 = vector.load %arg7[%get3A_5, %get3A_6] : memref<1x6272xf32, #tpu.memory_space<vmem>>, vector<1x6272xf32>
    %add3A_8 = arith.addf %add3A, %get3A_7 : vector<1x6272xf32>
    %get3A_9 = arith.constant 0 : index
    %get3A_10 = arith.constant 0 : index
    %get3A_11 = vector.load %arg10[%get3A_9, %get3A_10] : memref<1x6272xf32, #tpu.memory_space<vmem>>, vector<1x6272xf32>
    %mul3A = arith.mulf %add3A_8, %get3A_11 : vector<1x6272xf32>
    %get3A_12 = arith.constant 0 : index
    %get3A_13 = arith.constant 0 : index
    %get3A_14 = vector.load %arg3[%get3A_12, %get3A_13] : memref<1x6272xf32, #tpu.memory_space<vmem>>, vector<1x6272xf32>
    %get3A_15 = arith.constant 0 : index
    %get3A_16 = arith.constant 0 : index
    %get3A_17 = vector.load %arg4[%get3A_15, %get3A_16] : memref<1x6272xf32, #tpu.memory_space<vmem>>, vector<1x6272xf32>
    %add3A_18 = arith.addf %get3A_14, %get3A_17 : vector<1x6272xf32>
    %get3A_19 = arith.constant 0 : index
    %get3A_20 = arith.constant 0 : index
    %get3A_21 = vector.load %arg8[%get3A_19, %get3A_20] : memref<1x6272xf32, #tpu.memory_space<vmem>>, vector<1x6272xf32>
    %add3A_22 = arith.addf %add3A_18, %get3A_21 : vector<1x6272xf32>
    %get3A_23 = arith.constant 0 : index
    %get3A_24 = arith.constant 0 : index
    %get3A_25 = vector.load %arg10[%get3A_23, %get3A_24] : memref<1x6272xf32, #tpu.memory_space<vmem>>, vector<1x6272xf32>
    %mul3A_26 = arith.mulf %add3A_22, %get3A_25 : vector<1x6272xf32>
    %get3A_27 = arith.constant 0 : index
    %get3A_28 = arith.constant 0 : index
    %get3A_29 = vector.load %arg5[%get3A_27, %get3A_28] : memref<1x6272xf32, #tpu.memory_space<vmem>>, vector<1x6272xf32>
    %get3A_30 = arith.constant 0 : index
    %get3A_31 = arith.constant 0 : index
    %get3A_32 = vector.load %arg6[%get3A_30, %get3A_31] : memref<1x6272xf32, #tpu.memory_space<vmem>>, vector<1x6272xf32>
    %add3A_33 = arith.addf %get3A_29, %get3A_32 : vector<1x6272xf32>
    %get3A_34 = arith.constant 0 : index
    %get3A_35 = arith.constant 0 : index
    %get3A_36 = vector.load %arg9[%get3A_34, %get3A_35] : memref<1x6272xf32, #tpu.memory_space<vmem>>, vector<1x6272xf32>
    %add3A_37 = arith.addf %add3A_33, %get3A_36 : vector<1x6272xf32>
    %get3A_38 = arith.constant 0 : index
    %get3A_39 = arith.constant 0 : index
    %get3A_40 = vector.load %arg10[%get3A_38, %get3A_39] : memref<1x6272xf32, #tpu.memory_space<vmem>>, vector<1x6272xf32>
    %mul3A_41 = arith.mulf %add3A_37, %get3A_40 : vector<1x6272xf32>
    %concatenate3A = tpu.concatenate %mul3A, %mul3A_26, %mul3A_41 in 0 : vector<1x6272xf32>, vector<1x6272xf32>, vector<1x6272xf32> -> vector<3x6272xf32>
    %get3A_42 = arith.constant 0 : index
    %get3A_43 = arith.constant 0 : index
    %get3A_44 = vector.load %arg11[%get3A_42, %get3A_43] : memref<16x3xf32, #tpu.memory_space<vmem>>, vector<16x3xf32>
    %dot_general3A = arith.constant dense<0.000000e+00> : vector<16x6272xf32>
    %dot_general3A_45 = tpu.matmul %get3A_44, %concatenate3A, %dot_general3A {dimension_numbers = #tpu.dot_dimension_numbers<[1], [0], [0], [1], [0, 0, 1, 1], [], []>, transpose_lhs_hint = false} : vector<16x3xf32>, vector<3x6272xf32>, vector<16x6272xf32> -> vector<16x6272xf32>
    %get3A_46 = arith.constant 0 : index
    %get3A_47 = arith.constant 0 : index
    %get3A_48 = vector.load %arg12[%get3A_46, %get3A_47] : memref<16x1xf32, #tpu.memory_space<vmem>>, vector<16x1xf32>
    %add3A_49 = vector.broadcast %get3A_48 : vector<16x1xf32> to vector<16x6272xf32>
    %add3A_50 = arith.addf %dot_general3A_45, %add3A_49 : vector<16x6272xf32>
    %max3A = arith.constant 0.000000e+00 : f32
    %max3A_51 = vector.broadcast %max3A : f32 to vector<16x6272xf32>
    %max3A_52 = arith.maximumf %add3A_50, %max3A_51 : vector<16x6272xf32>
    %get3A_53 = arith.constant 0 : index
    %get3A_54 = arith.constant 0 : index
    %get3A_55 = vector.load %arg13[%get3A_53, %get3A_54] : memref<1x16xf32, #tpu.memory_space<vmem>>, vector<1x16xf32>
    %dot_general3A_56 = arith.constant dense<0.000000e+00> : vector<1x6272xf32>
    %dot_general3A_57 = tpu.matmul %get3A_55, %max3A_52, %dot_general3A_56 {dimension_numbers = #tpu.dot_dimension_numbers<[1], [0], [0], [1], [0, 0, 1, 1], [], []>, transpose_lhs_hint = false} : vector<1x16xf32>, vector<16x6272xf32>, vector<1x6272xf32> -> vector<1x6272xf32>
    %get3A_58 = arith.constant 0 : index
    %get3A_59 = arith.constant 0 : index
    %get3A_60 = vector.load %arg10[%get3A_58, %get3A_59] : memref<1x6272xf32, #tpu.memory_space<vmem>>, vector<1x6272xf32>
    %mul3A_61 = arith.mulf %dot_general3A_57, %get3A_60 : vector<1x6272xf32>
    %swap3A = arith.constant 0 : index
    %swap3A_62 = arith.constant 0 : index
    %swap3A_63 = vector.load %arg14[%swap3A, %swap3A_62] : memref<1x6272xf32, #tpu.memory_space<vmem>>, vector<1x6272xf32>
    tpu.vector_store %arg14[%swap3A, %swap3A_62], %mul3A_61 {strides = array<i32>} : memref<1x6272xf32, #tpu.memory_space<vmem>>, vector<1x6272xf32>,
    return
  }
  func.func @transform_0(%arg0: i32) -> (i32, i32) {
    %c0_i32 = arith.constant 0 : i32
    %c0_i32_0 = arith.constant 0 : i32
    return %c0_i32, %arg0 : i32, i32
  }
  func.func @transform_1(%arg0: i32) -> (i32, i32) {
    %c0_i32 = arith.constant 0 : i32
    %c0_i32_0 = arith.constant 0 : i32
    return %c0_i32, %arg0 : i32, i32
  }
  func.func @transform_2(%arg0: i32) -> (i32, i32) {
    %c0_i32 = arith.constant 0 : i32
    %c0_i32_0 = arith.constant 0 : i32
    return %c0_i32, %arg0 : i32, i32
  }
  func.func @transform_3(%arg0: i32) -> (i32, i32) {
    %c0_i32 = arith.constant 0 : i32
    %c0_i32_0 = arith.constant 0 : i32
    return %c0_i32, %arg0 : i32, i32
  }
  func.func @transform_4(%arg0: i32) -> (i32, i32) {
    %c0_i32 = arith.constant 0 : i32
    %c0_i32_0 = arith.constant 0 : i32
    return %c0_i32, %arg0 : i32, i32
  }
  func.func @transform_5(%arg0: i32) -> (i32, i32) {
    %c0_i32 = arith.constant 0 : i32
    %c0_i32_0 = arith.constant 0 : i32
    return %c0_i32, %arg0 : i32, i32
  }
  func.func @transform_6(%arg0: i32) -> (i32, i32) {
    %c0_i32 = arith.constant 0 : i32
    %c0_i32_0 = arith.constant 0 : i32
    return %c0_i32, %arg0 : i32, i32
  }
  func.func @transform_7(%arg0: i32) -> (i32, i32) {
    %c0_i32 = arith.constant 0 : i32
    %c0_i32_0 = arith.constant 0 : i32
    return %c0_i32, %arg0 : i32, i32
  }
  func.func @transform_8(%arg0: i32) -> (i32, i32) {
    %c0_i32 = arith.constant 0 : i32
    %c0_i32_0 = arith.constant 0 : i32
    return %c0_i32, %arg0 : i32, i32
  }
  func.func @transform_9(%arg0: i32) -> (i32, i32) {
    %c0_i32 = arith.constant 0 : i32
    %c0_i32_0 = arith.constant 0 : i32
    return %c0_i32, %arg0 : i32, i32
  }
  func.func @transform_10(%arg0: i32) -> (i32, i32) {
    %c0_i32 = arith.constant 0 : i32
    %c0_i32_0 = arith.constant 0 : i32
    %c0_i32_1 = arith.constant 0 : i32
    return %c0_i32, %c0_i32_0 : i32, i32
  }
  func.func @transform_11(%arg0: i32) -> (i32, i32) {
    %c0_i32 = arith.constant 0 : i32
    %c0_i32_0 = arith.constant 0 : i32
    %c0_i32_1 = arith.constant 0 : i32
    return %c0_i32, %c0_i32_0 : i32, i32
  }
  func.func @transform_12(%arg0: i32) -> (i32, i32) {
    %c0_i32 = arith.constant 0 : i32
    %c0_i32_0 = arith.constant 0 : i32
    %c0_i32_1 = arith.constant 0 : i32
    return %c0_i32, %c0_i32_0 : i32, i32
  }
  func.func @transform_13(%arg0: i32) -> (i32, i32) {
    %c0_i32 = arith.constant 0 : i32
    %c0_i32_0 = arith.constant 0 : i32
    return %c0_i32, %arg0 : i32, i32
  }
}

module attributes {stable_mosaic.version = 14 : i64} {
  func.func @body(%arg0: i32, %arg1: memref<1x6272xf32, #tpu.memory_space<vmem>>, %arg2: memref<1x6272xf32, #tpu.memory_space<vmem>>, %arg3: memref<1x6272xf32, #tpu.memory_space<vmem>>, %arg4: memref<1x6272xf32, #tpu.memory_space<vmem>>, %arg5: memref<1x1xf32, #tpu.memory_space<vmem>>, %arg6: memref<1x6272xf32, #tpu.memory_space<vmem>>) attributes {dimension_semantics = [#tpu.dimension_semantics<arbitrary>], iteration_bounds = array<i64: 16>, scalar_prefetch = 0 : i64, scratch_operands = 0 : i64, tpu.core_type = #tpu.core_type<tc>, window_params = [{transform_indices = @transform_0, window_bounds = array<i64: 1, 6272>}, {transform_indices = @transform_1, window_bounds = array<i64: 1, 6272>}, {transform_indices = @transform_2, window_bounds = array<i64: 1, 6272>}, {transform_indices = @transform_3, window_bounds = array<i64: 1, 6272>}, {pipeline_mode = #tpu.pipeline_mode<synchronous>, transform_indices = @transform_4, window_bounds = array<i64: 1, 1>}, {transform_indices = @transform_5, window_bounds = array<i64: 1, 6272>}]} {
    %get3A = arith.constant 0 : index
    %get3A_0 = arith.constant 0 : index
    %get3A_1 = vector.load %arg1[%get3A, %get3A_0] : memref<1x6272xf32, #tpu.memory_space<vmem>>, vector<1x6272xf32>
    %get3A_2 = arith.constant 0 : index
    %get3A_3 = arith.constant 0 : index
    %get3A_4 = vector.load %arg2[%get3A_2, %get3A_3] : memref<1x6272xf32, #tpu.memory_space<vmem>>, vector<1x6272xf32>
    %add3A = arith.addf %get3A_1, %get3A_4 : vector<1x6272xf32>
    %get3A_5 = arith.constant 0 : index
    %get3A_6 = arith.constant 0 : index
    %get3A_7 = vector.load %arg3[%get3A_5, %get3A_6] : memref<1x6272xf32, #tpu.memory_space<vmem>>, vector<1x6272xf32>
    %add3A_8 = arith.addf %add3A, %get3A_7 : vector<1x6272xf32>
    %get3A_9 = arith.constant 0 : index
    %get3A_10 = arith.constant 0 : index
    %get3A_11 = vector.load %arg4[%get3A_9, %get3A_10] : memref<1x6272xf32, #tpu.memory_space<vmem>>, vector<1x6272xf32>
    %mul3A = arith.mulf %add3A_8, %get3A_11 : vector<1x6272xf32>
    %get3A_12 = arith.constant 0 : index
    %get3A_13 = arith.constant 0 : index
    %get3A_14 = vector.load %arg5[%get3A_12, %get3A_13] : memref<1x1xf32, #tpu.memory_space<vmem>>, vector<1x1xf32>
    %add3A_15 = vector.broadcast %get3A_14 : vector<1x1xf32> to vector<1x6272xf32>
    %add3A_16 = arith.addf %mul3A, %add3A_15 : vector<1x6272xf32>
    %swap3A = arith.constant 0 : index
    %swap3A_17 = arith.constant 0 : index
    %swap3A_18 = vector.load %arg6[%swap3A, %swap3A_17] : memref<1x6272xf32, #tpu.memory_space<vmem>>, vector<1x6272xf32>
    tpu.vector_store %arg6[%swap3A, %swap3A_17], %add3A_16 {strides = array<i32>} : memref<1x6272xf32, #tpu.memory_space<vmem>>, vector<1x6272xf32>,
    return
  }
  func.func @transform_0(%arg0: i32) -> (i32, i32) {
    %c0_i32 = arith.constant 0 : i32
    %c0_i32_0 = arith.constant 0 : i32
    return %c0_i32, %arg0 : i32, i32
  }
  func.func @transform_1(%arg0: i32) -> (i32, i32) {
    %c0_i32 = arith.constant 0 : i32
    %c0_i32_0 = arith.constant 0 : i32
    return %c0_i32, %arg0 : i32, i32
  }
  func.func @transform_2(%arg0: i32) -> (i32, i32) {
    %c0_i32 = arith.constant 0 : i32
    %c0_i32_0 = arith.constant 0 : i32
    return %c0_i32, %arg0 : i32, i32
  }
  func.func @transform_3(%arg0: i32) -> (i32, i32) {
    %c0_i32 = arith.constant 0 : i32
    %c0_i32_0 = arith.constant 0 : i32
    return %c0_i32, %arg0 : i32, i32
  }
  func.func @transform_4(%arg0: i32) -> (i32, i32) {
    %c0_i32 = arith.constant 0 : i32
    %c0_i32_0 = arith.constant 0 : i32
    %c0_i32_1 = arith.constant 0 : i32
    return %c0_i32, %c0_i32_0 : i32, i32
  }
  func.func @transform_5(%arg0: i32) -> (i32, i32) {
    %c0_i32 = arith.constant 0 : i32
    %c0_i32_0 = arith.constant 0 : i32
    return %c0_i32, %arg0 : i32, i32
  }
}

</mosaic_0001>

<sc_bundles>
// kernel: kernel.11.cloned.1.call-start
scs
__scs_entry_jumppad:
0x0: {  	(pc) =	sbr.rel $0x88, $3  }
0x1: {  	(tag) =	ssettag $0x0;
	lr =	simm.s32 $0x1  }
0x2: {  	[smem:$0x3F9B] =	sst lr;
	_ =	strace $0xD0000000  }
0x3: {  	_ = 	snop  }
0x4: {  	_ = 	snop  }
0x5: {  	_ = 	snop  }
0x6: {  	_ = 	snop  }
0x7: {  	_ = 	snop  }
__scs_overlays_trampoline_lowered:
0x8: {  	[smem:$0x3FAA] =	sst s0  }
0x9: {  	[smem:$0x3FAB] =	sst s1  }
0xa: {  	[smem:$0x3FAC] =	sst s2  }
0xb: {  	[smem:$0x3FAD] =	sst s3  }
0xc: {  	[smem:$0x3FAE] =	sst s4  }
0xd: {  	[smem:$0x3FAF] =	sst s5  }
0xe: {  	[smem:$0x3FB0] =	sst s6  }
0xf: {  	[smem:$0x3FB1] =	sst s7  }
0x10: {  	[smem:$0x3FB2] =	sst s8  }
0x11: {  	[smem:$0x3FB3] =	sst s9;
	s0 =	simm.s32 @!p0 $0x0  }
0x12: {  	s1 =	sld [smem:$0x3F99];
	s0 =	simm.s32 @p0 $0x1  }
0x13: {  	[smem:$0x3FB4] =	sst s0;
	s0 =	simm.s32 @!p1 $0x0  }
0x14: {  	s2 =	sld [smem:$0x3F98];
	s0 =	simm.s32 @p1 $0x1  }
0x15: {  	[smem:$0x3FB5] =	sst s0;
	s0 =	simm.s32 @!p2 $0x0  }
0x16: {  	s3 =	sld [smem:$0x3FDB];
	s0 =	simm.s32 @p2 $0x1  }
0x17: {  	s4 =	simm.s32 $0x1BF5;
	[smem:$0x3FB7] =	sst s0  }
0x18: {  	s0 =	sld [smem:$0x3F9A];
	_ =	swait.ge [sflag:s4], $0x0  }
0x19: {  	s7 =	sld [smem:$0x3F9B]  }
0x1a: {  	s8 =	sadd.s32 $0xFFFFE003, lr  }
0x1b: {  	s9 =	sadd.s32 $0xFFFFFEF7, lr;
	s5 =	simm.s32 $0xFFFFFFFF;
	p2 =	slt.u32 s8, $0xFFFFF086  }
0x1c: {  	p1 =	slt.u32 s9, $0xF7A;
	s5 =	simm.s32 @!p2 $0x0  }
0x1d: {  	s5 =	simm.s32 @p1 $0x1;
	p0 =	seq.s32 s7, s2  }
0x1e: {  	s7 =	smul.u32 @!p0 $0xF7A, s2;
	p2 =	seq.s32 @!p0 s5, $0x0  }
0x1f: {  	s9 =	smul.u32 $0xF7A, s1;
	s8 =	simm.s32 @!p0 $0x1BF5;
	p2 =	por !p2, p0  }
0x20: {  	[sflag:s8] =	ssyncset.s32 @!p0 $0xFFFFF086;
	s6 =	sadd.s32 @!p0 s3, s7;
	s7 =	simm.s32 @!p0 $0x108  }
0x21: {  	s3 =	sadd.s32 s3, s9;
	s6 =	sadd.s32 @!p0 $0x88, s6;
	s7 =	simm.s32 @p2 $0x1082  }
0x22: {  	[simem:s7], [sflag:s8] =	dma.local @!p0 [hbm:s6], $0xF7A  }
0x23: {  	s9 =	sor.u32 $0xD0000000, s2;
	s6 =	simm.s32 $0x108;
	_ =	swait.ge @!p0 [sflag:s8], $0x0  }
0x24: {  	s3 =	sadd.s32 $0x88, s3;
	s6 =	simm.s32 @!p1 $0x1082;
	[sflag:s4] =	ssyncset.s32 $0xFFFFF086  }
0x25: {  	[simem:s6], [sflag:s4] =	dma.local [hbm:s3], $0xF7A  }
0x26: {  	[smem:$0x3F9B] =	sst s1;
	(tag) =	ssettag s2;
	_ =	strace s9  }
0x27: {  	s1 =	sld [smem:$0x3FAB]  }
0x28: {  	s2 =	sld [smem:$0x3FAC]  }
0x29: {  	s4 =	sld [smem:$0x3FAE]  }
0x2a: {  	p0 =	seq.s32 s5, $0x0;
	s5 =	sld [smem:$0x3FAF]  }
0x2b: {  	s6 =	sld [smem:$0x3FB0]  }
0x2c: {  	s7 =	sld [smem:$0x3FB1]  }
0x2d: {  	s3 =	simm.s32 $0x108;
	s8 =	sld [smem:$0x3FB2]  }
0x2e: {  	s3 =	simm.s32 @!p0 $0x1082;
	s9 =	sld [smem:$0x3FB3]  }
0x2f: {  	lr =	sadd.s32 s0, s3;
	s0 =	sld [smem:$0x3FAA]  }
0x30: {  	s3 =	sld [smem:$0x3FAD]  }
0x31: {  	[smem:$0x3FB6] =	sst s10  }
0x32: {  	s10 =	sld [smem:$0x3FB4];
	_ =	sdelay $0x3  }
0x33: {  	p0 =	seq.s32 s10, $0x1;
	s10 =	sld [smem:$0x3FB6];
	_ =	sdelay $0x3  }
0x34: {  	[smem:$0x3FB6] =	sst s10  }
0x35: {  	s10 =	sld [smem:$0x3FB5];
	_ =	sdelay $0x3  }
0x36: {  	p1 =	seq.s32 s10, $0x1;
	s10 =	sld [smem:$0x3FB6];
	_ =	sdelay $0x3  }
0x37: {  	[smem:$0x3FB6] =	sst s10  }
0x38: {  	s10 =	sld [smem:$0x3FB7]  }
0x39: {  	_ = 	snop;
	(pc) =	sbr.ind lr, $3  }
0x3a: {  	_ = 	snop  }
0x3b: {  	_ = 	snop  }
0x3c: {  	p2 =	seq.s32 s10, $0x1;
	s10 =	sld [smem:$0x3FB6]  }
0x3d: {  	_ =	shalt  }
0x3e: {  	_ =	shalt  }
0x3f: {  	_ =	shalt  }
0x40: {  	_ =	shalt  }
0x41: {  	_ =	shalt  }
0x42: {  	_ =	shalt  }
0x43: {  	_ =	shalt  }
0x44: {  	_ =	shalt  }
0x45: {  	_ =	shalt  }
0x46: {  	_ =	shalt  }
0x47: {  	_ =	shalt  }
0x48: {  	_ =	shalt  }
0x49: {  	_ =	shalt  }
0x4a: {  	_ =	shalt  }
0x4b: {  	_ =	shalt  }
0x4c: {  	_ =	shalt  }
0x4d: {  	_ =	shalt  }
0x4e: {  	_ =	shalt  }
0x4f: {  	_ =	shalt  }
0x50: {  	_ =	shalt  }
0x51: {  	_ =	shalt  }
0x52: {  	_ =	shalt  }
0x53: {  	_ =	shalt  }
0x54: {  	_ =	shalt  }
0x55: {  	_ =	shalt  }
0x56: {  	_ =	shalt  }
0x57: {  	_ =	shalt  }
0x58: {  	_ =	shalt  }
0x59: {  	_ =	shalt  }
0x5a: {  	_ =	shalt  }
0x5b: {  	_ =	shalt  }
0x5c: {  	_ =	shalt  }
0x5d: {  	_ =	shalt  }
0x5e: {  	_ =	shalt  }
0x5f: {  	_ =	shalt  }
0x60: {  	_ =	shalt  }
0x61: {  	_ =	shalt  }
0x62: {  	_ =	shalt  }
0x63: {  	_ =	shalt  }
0x64: {  	_ =	shalt  }
0x65: {  	_ =	shalt  }
0x66: {  	_ =	shalt  }
0x67: {  	_ =	shalt  }
0x68: {  	_ =	shalt  }
0x69: {  	_ =	shalt  }
0x6a: {  	_ =	shalt  }
0x6b: {  	_ =	shalt  }
0x6c: {  	_ =	shalt  }
0x6d: {  	_ =	shalt  }
0x6e: {  	_ =	shalt  }
0x6f: {  	_ =	shalt  }
0x70: {  	_ =	shalt  }
0x71: {  	_ =	shalt  }
0x72: {  	_ =	shalt  }
0x73: {  	_ =	shalt  }
0x74: {  	_ =	shalt  }
0x75: {  	_ =	shalt  }
0x76: {  	_ =	shalt  }
0x77: {  	_ =	shalt  }
0x78: {  	_ =	shalt  }
0x79: {  	_ =	shalt  }
0x7a: {  	_ =	shalt  }
0x7b: {  	_ =	shalt  }
0x7c: {  	_ =	shalt  }
0x7d: {  	_ =	shalt  }
0x7e: {  	_ =	shalt  }
0x7f: {  	_ =	shalt  }
0x80: {  	_ =	shalt  }
0x81: {  	_ =	shalt  }
0x82: {  	_ =	shalt  }
0x83: {  	_ =	shalt  }
0x84: {  	_ =	shalt  }
0x85: {  	_ =	shalt  }
0x86: {  	_ =	shalt  }
0x87: {  	_ =	shalt  }
.Lfunc_end0:
.L_simem_size_0:
called_computation.1_lowered:
.L_overlay_start_0:
0x88: {  	s2 =	sld [smem:$0x3FD9]  }
0x89: {  	s3 =	sld [smem:$0x3FFE];
	_ =	sdelay $0x1  }
0x8a: {  	s1 =	srdreg.scid  }
0x8b: {  	s0 =	sand.u32 $0x1, s1  }
0x8c: {  	s16 =	sshll.u32 s0, $0xA;
	s2 =	sadd.s32 s3, s2  }
0x8d: {  	s2 =	sadd.s32 s2, s16  }
0x8e: {  	[smem:$0x3FC2] =	sst s2  }
0x8f: {  	_ = 	snop  }
0x90: {  	(tm) =	ssettm $0x1  }
0x91: {  	s17 =	sld [smem:$0x3FFB];
	_ =	sdelay $0x3  }
0x92: {  	_ =	strace s17  }
0x93: {  	s2 =	sld [smem:$0x3FFC];
	_ =	sdelay $0x3  }
0x94: {  	_ =	strace s2  }
0x95: {  	s2 =	sld [smem:$0x3FFD];
	_ =	sdelay $0x3  }
0x96: {  	_ =	strace s2  }
0x97: {  	_ =	strace $0x8FFFFFFF  }
0x98: {  	s18 =	sld [smem:$0x3FDB];
	_ =	sdelay $0x1  }
0x99: {  	s19 =	simm.s32 $_scs_section_size  }
0x9a: {  	s4 =	simm.s32 $_size__tile_overlayer_lowered;
	s5 =	simm.s32 $_tile_overlayer_lowered  }
0x9b: {  	s22 =	simm.s32 $0x1BFF;
	s21 =	sshll.u32 s5, $0x1;
	s2 =	sadd.s32 s19, s18  }
0x9c: {  	s6 =	simm.s32 $0x0;
	s20 =	sshll.u32 s4, $0x1;
	s4 =	sadd.s32 s21, s2  }
0x9d: {  	[timem:s6], [sflag:s22] =	dma.local [hbm:s4], s20  }
0x9e: {  	_ =	swait.ge [sflag:s22], s20  }
0x9f: {  	s3 =	ssub.s32 $0x0, s20;
	[sflag:s22] =	ssyncset.done $0x0  }
0xa0: {  	[sflag:s22] =	ssyncadd.s32 s3;
	_ =	sdelay $0x1  }
0xa1: {  	s23 =	simm.s32 $0x1B8B  }
0xa2: {  	_ =	swait.ge [sflag:s23], $0x1  }
0xa3: {  	[sflag:s23] =	ssyncset.done $0x0  }
0xa4: {  	s25 =	simm.s32 $0x1B8E;
	s24 =	sld [smem:$0x3FFE];
	[sflag:s23] =	ssyncadd.s32 $0xFFFFFFFF  }
0xa5: {  	s26 =	simm.s32 $execute0_lowered;
	[smem:$0x3FD2] =	sst s25  }
0xa6: {  	s4 =	sshll.u32 s26, $0x1;
	_ =	strace $0x80000049;
	[dreg:$0x1] =	wrdreg $0xFFFFFFFF  }
0xa7: {  	s28 =	simm.s32 $_size_execute0_lowered;
	s2 =	sadd.s32 s2, s4;
	[dreg:$0x0] =	wrdreg $0x0  }
0xa8: {  	s4 =	sshll.u32 s28, $0x1;
	[dreg:$0x2] =	wrdreg s2  }
0xa9: {  	[dreg:$0x3] =	wrdreg s4  }
0xaa: {  	[dreg:$0x4] =	wrdreg $0xC0  }
0xab: {  	_ =	task [dreg:s6], $0x5FFFF  }
0xac: {  	[dreg:$0x1] =	wrdreg $0xFFFFFFFF  }
0xad: {  	[dreg:$0x0] =	wrdreg $0x60  }
0xae: {  	[dreg:$0x2] =	wrdreg s24  }
0xaf: {  	[dreg:$0x3] =	wrdreg $0x0  }
0xb0: {  	[dreg:$0x4] =	wrdreg $0x18800  }
0xb1: {  	[dreg:$0x5] =	wrdreg $0x31000  }
0xb2: {  	[dreg:$0x6] =	wrdreg $0x49800  }
0xb3: {  	[dreg:$0x7] =	wrdreg $0x62000  }
0xb4: {  	[dreg:$0x8] =	wrdreg $0x7A800  }
0xb5: {  	[dreg:$0x9] =	wrdreg $0x9  }
0xb6: {  	_ =	task.clear_ibuf [dreg:s6], $0xAFFFF;
	_ =	strace $0x90000049  }
0xb7: {  	s29 =	simm.s32 $0x9;
	_ =	strace $0x8000004B  }
0xb8: {  	_ =	swait.ge [sflag:s29], $0x1  }
0xb9: {  	[sflag:s29] =	ssyncadd.s32 $0xFFFFFFFF  }
0xba: {  	_ =	strace $0x9000004B  }
0xbb: {  	_ =	sfence  }
0xbc: {  	s30 =	sld [smem:$0x0];
	_ =	sdelay $0x2  }
0xbd: {  	s31 =	sshll.u32 s1, $0xD;
	s1 =	sshrl.u32 s1, $0x2  }
0xbe: {  	s3 =	sand.u32 $0x4000, s31;
	s1 =	sadd.s32 s1, s30  }
0xbf: {  	s0 =	sor.u32 s3, s0;
	s1 =	sshll.u32 s1, $0x11  }
0xc0: {  	s0 =	sor.u32 s1, s0  }
0xc1: {  	s0 =	sadd.s32 $0x8F2B, s0  }
0xc2: {  	[sflag:s0] =	ssyncadd.remote.s32 $0x1  }
0xc3: {  	_ =	sfence.sel $0xFFFF  }
0xc4: {  	[dreg:$0x0] =	wrdreg $0xFFFFFFFF;
	(pc) =	sbr.abs _section_cstart, $3  }
0xc5: {  	[dreg:$0x1] =	wrdreg $0xFFFFFFFF  }
0xc6: {  	_ =	task.clear_ibuf [dreg:s6], $0x2FFFF;
	_ =	strace $0x9FFFFFFF  }
0xc7: {  	(tm) =	ssettm $0x7FFFFFFF  }
tec
execute0_lowered:
.L_overlay_start_1:
0x0: {  	(tag) =	ssettag $0x1  }
0x1: {  	s3 =	rddreg [dreg:$0x0]  }
0x2: {  	s0 =	rddreg [dreg:$0x1]  }
0x3: {  	s1 =	rddreg [dreg:$0x2]  }
0x4: {  	s2 =	rddreg [dreg:$0x3]  }
0x5: {  	s4 =	rddreg [dreg:$0x4];
	s5 =	srdreg.scid  }
0x6: {  	s6 =	rddreg [dreg:$0x5];
	s14 =	stileid.u32  }
0x7: {  	s7 =	rddreg [dreg:$0x6];
	s8 =	simm.s32 $0x0;
	s28 =	simm.s32 $0x9300  }
0x8: {  	s29 =	simm.s32 $0xBA10;
	s30 =	simm.s32 $0x2710;
	s10 =	smul.u32 $0x30D40, s14  }
0x9: {  	s31 =	simm.s32 $0xE120;
	s5 =	sand.u32 $0x1, s5;
	s11 =	smul.u32 $0x1880, s14  }
0xa: {  	[smem:$0x7FF] =	sst s8;
	s15 =	sshll.u32 s14, $0x6;
	s9 =	smul.u32 $0x30D400, s5  }
0xb: {  	s12 =	smul.u32 $0x18800, s5;
	_ =	strace $0x8000004A;
	s5 =	ssub.s32 $0x2, s5  }
0xc: {  	s13 =	sshrl.u32 s5, $0x1;
	s19 =	sadd.s32 s11, s4;
	s20 =	sadd.s32 s11, s6  }
0xd: {  	s9 =	sadd.s32 s10, s9;
	s10 =	sadd.s32 s11, s12;
	s12 =	sshrl.u32 s11, $0x3  }
0xe: {  	s5 =	ssub.s32 s5, s13;
	s13 =	sadd.s32 s11, s0;
	[dreg:$0xb] =	wrdreg s19  }
0xf: {  	[dreg:$0xd] =	wrdreg s20;
	s9 =	sshrl.u32 s9, $0x3;
	s10 =	sshrl.u32 s10, $0x3  }
0x10: {  	s12 =	sadd.s32 s12, s3;
	s23 =	smax.u32 s5, $0x1;
	s24 =	sshrl.u32 s13, $0x3  }
0x11: {  	s5 =	simm.s32 $0x10830;
	s13 =	simm.s32 $0x4;
	[dreg:$0x12] =	wrdreg s23  }
0x12: {  	s9 =	sadd.s32 s9, s3;
	s16 =	sadd.s32 $0x18D600, s12;
	[dreg:$0x13] =	wrdreg s24  }
0x13: {  	s3 =	sadd.s32 s10, s3;
	s17 =	sadd.s32 $0x190800, s12;
	[dreg:$0x8] =	wrdreg s16  }
0x14: {  	s10 =	sor.u32 $0x1C07, s15;
	s18 =	sadd.s32 $0x193A00, s12;
	[dreg:$0x9] =	wrdreg s17  }
0x15: {  	s15 =	sadd.s32 s11, s1;
	s12 =	sadd.s32 $0x18A400, s12;
	[dreg:$0xa] =	wrdreg s18  }
0x16: {  	s16 =	sadd.s32 s11, s2;
	[dreg:$0xc] =	wrdreg s12;
	s11 =	sadd.s32 s11, s7  }
0x17: {  	s21 =	sadd.s32 $0x196C00, s3;
	s22 =	sadd.s32 $0x19CE00, s3;
	[dreg:$0xe] =	wrdreg s11  }
0x18: {  	s3 =	sadd.s32 $0x1A3000, s3;
	s25 =	sshrl.u32 s15, $0x3;
	[dreg:$0xf] =	wrdreg s21  }
0x19: {  	s12 =	simm.s32 $0x3;
	s15 =	simm.s32 $0x5;
	[dreg:$0x10] =	wrdreg s22  }
0x1a: {  	s17 =	simm.s32 $0x0;
	[dreg:$0x11] =	wrdreg s3;
	s21 =	sadd.s32 $0x3800, s9  }
0x1b: {  	s22 =	sadd.s32 $0xC6E00, s9;
	[dreg:$0x14] =	wrdreg s25;
	s26 =	sshrl.u32 s16, $0x3  }
0x1c: {  	s3 =	simm.s32 $0x12F40;
	s9 =	simm.s32 $0x1;
	s11 =	simm.s32 $0x2  }
0x1d: {  	s16 =	simm.s32 $0x6;
	[dreg:$0x15] =	wrdreg s26;
	s26 =	simm.s32 $0x7  }
.LBB2_1:
0x1e: {  	s14 =	rddreg [dreg:$0x8]  }
0x1f: {  	s18 =	rddreg [dreg:$0x13]  }
0x20: {  	[spmem:s18], [sflag:s10] =	dma.local [hbm:s14], $0x310  }
0x21: {  	_ =	swait.ge [sflag:s26], $0x310  }
0x22: {  	[sflag:s26] =	ssyncset.done $0x0;
	s24 =	rddreg [dreg:$0x9]  }
0x23: {  	s25 =	rddreg [dreg:$0x14];
	[sflag:s26] =	ssyncadd.s32 $0xFFFFFCF0  }
0x24: {  	[spmem:s25], [sflag:s10] =	dma.local [hbm:s24], $0x310  }
0x25: {  	_ =	swait.ge [sflag:s26], $0x310  }
0x26: {  	[sflag:s26] =	ssyncset.done $0x0;
	s19 =	rddreg [dreg:$0xa]  }
0x27: {  	s20 =	rddreg [dreg:$0x15];
	[sflag:s26] =	ssyncadd.s32 $0xFFFFFCF0  }
0x28: {  	[spmem:s20], [sflag:s10] =	dma.local [hbm:s19], $0x310  }
0x29: {  	_ =	swait.ge [sflag:s26], $0x310  }
0x2a: {  	s23 =	rddreg [dreg:$0xb]  }
0x2b: {  	[sflag:s26] =	ssyncset.done $0x0;
	s25 =	rddreg [dreg:$0xc];
	s24 =	sshrl.u32 s23, $0x3  }
0x2c: {  	[sflag:s26] =	ssyncadd.s32 $0xFFFFFCF0;
	[dreg:$0x16] =	wrdreg s24  }
0x2d: {  	[spmem:s24], [sflag:s10] =	dma.local [hbm:s25], $0x310  }
0x2e: {  	_ =	swait.ge [sflag:s26], $0x310  }
0x2f: {  	[sflag:s26] =	ssyncset.done $0x0;
	s23 =	rddreg [dreg:$0xd]  }
0x30: {  	[sflag:s26] =	ssyncadd.s32 $0xFFFFFCF0;
	s19 =	sshrl.u32 s23, $0x3  }
0x31: {  	[spmem:s19], [sflag:s10] =	dma.local [hbm:s25], $0x310  }
0x32: {  	_ =	swait.ge [sflag:s26], $0x310  }
0x33: {  	[sflag:s26] =	ssyncset.done $0x0;
	s24 =	rddreg [dreg:$0xe]  }
0x34: {  	[sflag:s26] =	ssyncadd.s32 $0xFFFFFCF0;
	s20 =	sshrl.u32 s24, $0x3  }
0x35: {  	[spmem:s20], [sflag:s10] =	dma.local [hbm:s25], $0x310  }
0x36: {  	_ =	swait.ge [sflag:s26], $0x310  }
0x37: {  	[sflag:s26] =	ssyncset.done $0x0  }
0x38: {  	[sflag:s26] =	ssyncadd.s32 $0xFFFFFCF0  }
0x39: {  	s23 =	sadd.s32 $0x0, s22;
	[bflag:$0x0] =	sbarrier.arrive $0xFFFF  }
0x3a: {  	[tilespmem:s28], [sflag:$0x7] =	stream.linear.gather [hbm4b:s23+s8], $0x2710, $0x38;
	[tilespmem:$0x15650] =	vst v63  }
0x3b: {  	_ =	swait.ge [sflag:s26], $0x2710  }
0x3c: {  	[sflag:s26] =	ssyncset.done $0x0  }
0x3d: {  	s25 =	sadd.s32 $0x0, s21;
	[sflag:s26] =	ssyncadd.s32 $0xFFFFD8F0  }
0x3e: {  	[tilespmem:s29], [sflag:$0x7] =	stream.linear.gather [hbm4b:s25+s8], $0x2710, $0x38;
	[tilespmem:$0x15650] =	vst v63  }
0x3f: {  	_ =	swait.ge [sflag:s26], $0x2710  }
0x40: {  	[sflag:s26] =	ssyncset.done $0x0  }
0x41: {  	[sflag:s26] =	ssyncadd.s32 $0xFFFFD8F0  }
0x42: {  	[tilespmem:s31], [sflag:$0x1] =	stream.indirect.gather [spmem:s0], $0x1, s28, s30, $0xb8;
	[tilespmem:$0x15650] =	vst v63  }
0x43: {  	_ = 	snop  }
0x44: {  	[tilespmem:s5], [sflag:$0x2] =	stream.indirect.gather [spmem:s1], $0x1, s28, s30, $0xb8;
	[tilespmem:$0x15650] =	vst v63  }
0x45: {  	_ = 	snop  }
0x46: {  	[tilespmem:s3], [sflag:$0x3] =	stream.indirect.gather [spmem:s2], $0x1, s28, s30, $0xb8;
	[tilespmem:$0x15650] =	vst v63  }
0x47: {  	_ =	swait.ge [sflag:s9], $0x2710  }
0x48: {  	[sflag:s9] =	ssyncset.done $0x0  }
0x49: {  	[sflag:s9] =	ssyncadd.s32 $0xFFFFD8F0  }
0x4a: {  	[spmem:s4] =	stream.indirect.scatter.add.f32 [tilespmem:s31], [sflag:$0x4], $0x1, s29, s30, $0xb8;
	[tilespmem:$0x15650] =	vst v63  }
0x4b: {  	_ =	swait.ge [sflag:s11], $0x2710  }
0x4c: {  	[sflag:s11] =	ssyncset.done $0x0  }
0x4d: {  	[sflag:s11] =	ssyncadd.s32 $0xFFFFD8F0  }
0x4e: {  	[spmem:s6] =	stream.indirect.scatter.add.f32 [tilespmem:s5], [sflag:$0x5], $0x1, s29, s30, $0xb8;
	[tilespmem:$0x15650] =	vst v63  }
0x4f: {  	_ =	swait.ge [sflag:s12], $0x2710  }
0x50: {  	[sflag:s12] =	ssyncset.done $0x0  }
0x51: {  	[sflag:s12] =	ssyncadd.s32 $0xFFFFD8F0  }
0x52: {  	[spmem:s7] =	stream.indirect.scatter.add.f32 [tilespmem:s3], [sflag:$0x6], $0x1, s29, s30, $0xb8;
	[tilespmem:$0x15650] =	vst v63  }
0x53: {  	_ =	swait.ge [sflag:s13], $0x2710  }
0x54: {  	[sflag:s13] =	ssyncset.done $0x0  }
0x55: {  	[sflag:s13] =	ssyncadd.s32 $0xFFFFD8F0  }
0x56: {  	_ =	swait.ge [sflag:s15], $0x2710  }
0x57: {  	[sflag:s15] =	ssyncset.done $0x0  }
0x58: {  	[sflag:s15] =	ssyncadd.s32 $0xFFFFD8F0  }
0x59: {  	_ =	swait.ge [sflag:s16], $0x2710  }
0x5a: {  	s24 =	simm.s32 $0x9C4;
	s23 =	simm.s32 $0x4E2;
	[sflag:s16] =	ssyncset.done $0x0  }
.LBB2_2:
0x5b: {  	s14 =	sadd.s32 s23, s22  }
0x5c: {  	[sflag:s16] =	ssyncadd.s32 $0xFFFFD8F0;
	s18 =	smov.u32 s24;
	s25 =	sadd.s32 $0x4E2, s24  }
0x5d: {  	[tilespmem:s28], [sflag:$0x7] =	stream.linear.gather [hbm4b:s14+s8], $0x2710, $0x38;
	[tilespmem:$0x15650] =	vst v63  }
0x5e: {  	p0 =	sne.s32 s24, $0x5CC6;
	_ =	swait.ge [sflag:s26], $0x2710  }
0x5f: {  	[sflag:s26] =	ssyncset.done $0x0  }
0x60: {  	s14 =	sadd.s32 s23, s21;
	s23 =	smov.u32 s18;
	[sflag:s26] =	ssyncadd.s32 $0xFFFFD8F0  }
0x61: {  	[tilespmem:s29], [sflag:$0x7] =	stream.linear.gather [hbm4b:s14+s8], $0x2710, $0x38;
	[tilespmem:$0x15650] =	vst v63  }
0x62: {  	_ =	swait.ge [sflag:s26], $0x2710  }
0x63: {  	[sflag:s26] =	ssyncset.done $0x0  }
0x64: {  	[sflag:s26] =	ssyncadd.s32 $0xFFFFD8F0  }
0x65: {  	[tilespmem:s31], [sflag:$0x1] =	stream.indirect.gather [spmem:s0], $0x1, s28, s30, $0xb8;
	[tilespmem:$0x15650] =	vst v63  }
0x66: {  	_ = 	snop  }
0x67: {  	[tilespmem:s5], [sflag:$0x2] =	stream.indirect.gather [spmem:s1], $0x1, s28, s30, $0xb8;
	[tilespmem:$0x15650] =	vst v63  }
0x68: {  	_ = 	snop  }
0x69: {  	[tilespmem:s3], [sflag:$0x3] =	stream.indirect.gather [spmem:s2], $0x1, s28, s30, $0xb8;
	[tilespmem:$0x15650] =	vst v63  }
0x6a: {  	_ =	swait.ge [sflag:s9], $0x2710  }
0x6b: {  	[sflag:s9] =	ssyncset.done $0x0  }
0x6c: {  	[sflag:s9] =	ssyncadd.s32 $0xFFFFD8F0  }
0x6d: {  	[spmem:s4] =	stream.indirect.scatter.add.f32 [tilespmem:s31], [sflag:$0x4], $0x1, s29, s30, $0xb8;
	[tilespmem:$0x15650] =	vst v63  }
0x6e: {  	_ =	swait.ge [sflag:s11], $0x2710  }
0x6f: {  	[sflag:s11] =	ssyncset.done $0x0  }
0x70: {  	[sflag:s11] =	ssyncadd.s32 $0xFFFFD8F0  }
0x71: {  	[spmem:s6] =	stream.indirect.scatter.add.f32 [tilespmem:s5], [sflag:$0x5], $0x1, s29, s30, $0xb8;
	[tilespmem:$0x15650] =	vst v63  }
0x72: {  	_ =	swait.ge [sflag:s12], $0x2710  }
0x73: {  	[sflag:s12] =	ssyncset.done $0x0  }
0x74: {  	[sflag:s12] =	ssyncadd.s32 $0xFFFFD8F0  }
0x75: {  	[spmem:s7] =	stream.indirect.scatter.add.f32 [tilespmem:s3], [sflag:$0x6], $0x1, s29, s30, $0xb8;
	[tilespmem:$0x15650] =	vst v63  }
0x76: {  	_ =	swait.ge [sflag:s13], $0x2710  }
0x77: {  	[sflag:s13] =	ssyncset.done $0x0  }
0x78: {  	[sflag:s13] =	ssyncadd.s32 $0xFFFFD8F0  }
.Ltmp0:
0x79: {  	_ =	swait.ge [sflag:s15], $0x2710;
	(pc) =	sbr.rel @p0 .LBB2_2-.Ltmp0, $4  }
0x7a: {  	[sflag:s15] =	ssyncset.done $0x0  }
0x7b: {  	[sflag:s15] =	ssyncadd.s32 $0xFFFFD8F0  }
0x7c: {  	_ =	swait.ge [sflag:s16], $0x2710  }
0x7d: {  	s24 =	smov.u32 s25;
	[sflag:s16] =	ssyncset.done $0x0  }
0x7e: {  	s14 =	sadd.s32 s23, s22;
	[sflag:s16] =	ssyncadd.s32 $0xFFFFD8F0  }
0x7f: {  	[tilespmem:s28], [sflag:$0x7] =	stream.linear.gather [hbm4b:s14+s8], $0x2710, $0x38;
	[tilespmem:$0x15650] =	vst v63  }
0x80: {  	_ =	swait.ge [sflag:s26], $0x2710  }
0x81: {  	[sflag:s26] =	ssyncset.done $0x0  }
0x82: {  	s24 =	sadd.s32 s23, s21;
	[sflag:s26] =	ssyncadd.s32 $0xFFFFD8F0  }
0x83: {  	[tilespmem:s29], [sflag:$0x7] =	stream.linear.gather [hbm4b:s24+s8], $0x2710, $0x38;
	[tilespmem:$0x15650] =	vst v63  }
0x84: {  	_ =	swait.ge [sflag:s26], $0x2710  }
0x85: {  	[sflag:s26] =	ssyncset.done $0x0  }
0x86: {  	[sflag:s26] =	ssyncadd.s32 $0xFFFFD8F0  }
0x87: {  	[tilespmem:s31], [sflag:$0x1] =	stream.indirect.gather [spmem:s0], $0x1, s28, s30, $0xb8;
	[tilespmem:$0x15650] =	vst v63  }
0x88: {  	_ = 	snop  }
0x89: {  	[tilespmem:s5], [sflag:$0x2] =	stream.indirect.gather [spmem:s1], $0x1, s28, s30, $0xb8;
	[tilespmem:$0x15650] =	vst v63  }
0x8a: {  	_ = 	snop  }
0x8b: {  	[tilespmem:s3], [sflag:$0x3] =	stream.indirect.gather [spmem:s2], $0x1, s28, s30, $0xb8;
	[tilespmem:$0x15650] =	vst v63  }
0x8c: {  	_ =	swait.ge [sflag:s9], $0x2710  }
0x8d: {  	[sflag:s9] =	ssyncset.done $0x0  }
0x8e: {  	[sflag:s9] =	ssyncadd.s32 $0xFFFFD8F0  }
0x8f: {  	[spmem:s4] =	stream.indirect.scatter.add.f32 [tilespmem:s31], [sflag:$0x4], $0x1, s29, s30, $0xb8;
	[tilespmem:$0x15650] =	vst v63  }
0x90: {  	_ =	swait.ge [sflag:s11], $0x2710  }
0x91: {  	[sflag:s11] =	ssyncset.done $0x0  }
0x92: {  	[sflag:s11] =	ssyncadd.s32 $0xFFFFD8F0  }
0x93: {  	[spmem:s6] =	stream.indirect.scatter.add.f32 [tilespmem:s5], [sflag:$0x5], $0x1, s29, s30, $0xb8;
	[tilespmem:$0x15650] =	vst v63  }
0x94: {  	_ =	swait.ge [sflag:s12], $0x2710  }
0x95: {  	[sflag:s12] =	ssyncset.done $0x0  }
0x96: {  	[sflag:s12] =	ssyncadd.s32 $0xFFFFD8F0  }
0x97: {  	[spmem:s7] =	stream.indirect.scatter.add.f32 [tilespmem:s3], [sflag:$0x6], $0x1, s29, s30, $0xb8;
	[tilespmem:$0x15650] =	vst v63  }
0x98: {  	_ =	swait.ge [sflag:s13], $0x2710  }
0x99: {  	[sflag:s13] =	ssyncset.done $0x0  }
0x9a: {  	[sflag:s13] =	ssyncadd.s32 $0xFFFFD8F0  }
0x9b: {  	_ =	swait.ge [sflag:s15], $0x2710  }
0x9c: {  	[sflag:s15] =	ssyncset.done $0x0  }
0x9d: {  	[sflag:s15] =	ssyncadd.s32 $0xFFFFD8F0  }
0x9e: {  	_ =	swait.ge [sflag:s16], $0x2710  }
0x9f: {  	[sflag:s16] =	ssyncset.done $0x0  }
0xa0: {  	[sflag:s16] =	ssyncadd.s32 $0xFFFFD8F0  }
0xa1: {  	[bflag:$0x0] =	sbarrier.arrive $0xFFFF  }
0xa2: {  	s25 =	rddreg [dreg:$0xf]  }
0xa3: {  	s18 =	rddreg [dreg:$0x16]  }
0xa4: {  	[hbm:s25], [sflag:s10] =	dma.local [spmem:s18], $0x310  }
0xa5: {  	_ =	swait.ge [sflag:s26], $0x310  }
0xa6: {  	[sflag:s26] =	ssyncset.done $0x0  }
0xa7: {  	s23 =	rddreg [dreg:$0x10];
	[sflag:s26] =	ssyncadd.s32 $0xFFFFFCF0  }
0xa8: {  	[hbm:s23], [sflag:s10] =	dma.local [spmem:s19], $0x310  }
0xa9: {  	_ =	swait.ge [sflag:s26], $0x310  }
0xaa: {  	[sflag:s26] =	ssyncset.done $0x0  }
0xab: {  	s24 =	rddreg [dreg:$0x11];
	[sflag:s26] =	ssyncadd.s32 $0xFFFFFCF0  }
0xac: {  	[hbm:s24], [sflag:s10] =	dma.local [spmem:s20], $0x310  }
0xad: {  	_ =	swait.ge [sflag:s26], $0x310  }
0xae: {  	s17 =	sadd.s32 $0x1, s17;
	s25 =	rddreg [dreg:$0x12]  }
0xaf: {  	p0 =	sne.s32 s17, s25  }
.Ltmp1:
0xb0: {  	_ = 	snop;
	(pc) =	sbr.rel @p0 .LBB2_1-.Ltmp1, $3  }
0xb1: {  	_ =	sdelay $0x1  }
0xb2: {  	[sflag:s26] =	ssyncset.done $0x0  }
0xb3: {  	[sflag:s26] =	ssyncadd.s32 $0xFFFFFCF0  }
0xb4: {  	_ =	sfence.sel $0x180000  }
0xb5: {  	[bflag:$0x0] =	sbarrier.arrive $0xFFFF  }
0xb6: {  	_ =	strace $0x9000004A  }
0xb7: {  	s0 =	stileid.u32;
	[bflag:$0x2] =	sbarrier.arrive $0xFFFF  }
0xb8: {  	p0 =	sne.s32 s0, $0x0;
	s0 =	rddreg [dreg:$0x7]  }
0xb9: {  	s0 =	sadd.s32 @!p0 $0x100000, s0  }
0xba: {  	[sflag:s0] =	ssyncadd.tile.s32 @!p0 $0x1;
	_ =	shalt  }
.Lfunc_end2:
_tile_overlayer_lowered:
.L_overlay_start_2:
0xbb: {  	(tag) =	ssettag $0x2  }
0xbc: {  	s0 =	rddreg [dreg:$0x0];
	s2 =	stileid.u32  }
0xbd: {  	s1 =	rddreg [dreg:$0x1];
	p0 =	sne.s32 s2, $0x0  }
0xbe: {  	s3 =	rddreg [dreg:$0x2];
	[bflag:$0x3] =	sbarrier.arrive $0xFFFF;
	s2 =	simm.s32 @!p0 $0x1C07  }
0xbf: {  	[timem:s3], [sflag:s2] =	dma.local @!p0 [hbm:s0], s1  }
0xc0: {  	s0 =	simm.s32 @!p0 $0x7  }
0xc1: {  	_ =	swait.ge @!p0 [sflag:s0], s1  }
0xc2: {  	s1 =	ssub.s32 @!p0 $0x0, s1;
	[sflag:s0] =	ssyncset.done @!p0 $0x0  }
0xc3: {  	[sflag:s0] =	ssyncadd.s32 @!p0 s1  }
0xc4: {  	[bflag:$0x3] =	sbarrier.arrive $0xFFFF  }
0xc5: {  	_ =	shalt  }

// kernel: kernel.14.cloned.1.call-start
scs
__scs_entry_jumppad:
0x0: {  	(pc) =	sbr.rel $0x88, $3  }
0x1: {  	(tag) =	ssettag $0x0;
	lr =	simm.s32 $0x1  }
0x2: {  	[smem:$0x3F9B] =	sst lr;
	_ =	strace $0xD0000000  }
0x3: {  	_ = 	snop  }
0x4: {  	_ = 	snop  }
0x5: {  	_ = 	snop  }
0x6: {  	_ = 	snop  }
0x7: {  	_ = 	snop  }
__scs_overlays_trampoline_lowered:
0x8: {  	[smem:$0x3FAA] =	sst s0  }
0x9: {  	[smem:$0x3FAB] =	sst s1  }
0xa: {  	[smem:$0x3FAC] =	sst s2  }
0xb: {  	[smem:$0x3FAD] =	sst s3  }
0xc: {  	[smem:$0x3FAE] =	sst s4  }
0xd: {  	[smem:$0x3FAF] =	sst s5  }
0xe: {  	[smem:$0x3FB0] =	sst s6  }
0xf: {  	[smem:$0x3FB1] =	sst s7  }
0x10: {  	[smem:$0x3FB2] =	sst s8  }
0x11: {  	[smem:$0x3FB3] =	sst s9;
	s0 =	simm.s32 @!p0 $0x0  }
0x12: {  	s1 =	sld [smem:$0x3F99];
	s0 =	simm.s32 @p0 $0x1  }
0x13: {  	[smem:$0x3FB4] =	sst s0;
	s0 =	simm.s32 @!p1 $0x0  }
0x14: {  	s2 =	sld [smem:$0x3F98];
	s0 =	simm.s32 @p1 $0x1  }
0x15: {  	[smem:$0x3FB5] =	sst s0;
	s0 =	simm.s32 @!p2 $0x0  }
0x16: {  	s3 =	sld [smem:$0x3FDB];
	s0 =	simm.s32 @p2 $0x1  }
0x17: {  	s4 =	simm.s32 $0x1BF5;
	[smem:$0x3FB7] =	sst s0  }
0x18: {  	s0 =	sld [smem:$0x3F9A];
	_ =	swait.ge [sflag:s4], $0x0  }
0x19: {  	s7 =	sld [smem:$0x3F9B]  }
0x1a: {  	s8 =	sadd.s32 $0xFFFFE003, lr  }
0x1b: {  	s9 =	sadd.s32 $0xFFFFFEF7, lr;
	s5 =	simm.s32 $0xFFFFFFFF;
	p2 =	slt.u32 s8, $0xFFFFF086  }
0x1c: {  	p1 =	slt.u32 s9, $0xF7A;
	s5 =	simm.s32 @!p2 $0x0  }
0x1d: {  	s5 =	simm.s32 @p1 $0x1;
	p0 =	seq.s32 s7, s2  }
0x1e: {  	s7 =	smul.u32 @!p0 $0xF7A, s2;
	p2 =	seq.s32 @!p0 s5, $0x0  }
0x1f: {  	s9 =	smul.u32 $0xF7A, s1;
	s8 =	simm.s32 @!p0 $0x1BF5;
	p2 =	por !p2, p0  }
0x20: {  	[sflag:s8] =	ssyncset.s32 @!p0 $0xFFFFF086;
	s6 =	sadd.s32 @!p0 s3, s7;
	s7 =	simm.s32 @!p0 $0x108  }
0x21: {  	s3 =	sadd.s32 s3, s9;
	s6 =	sadd.s32 @!p0 $0x88, s6;
	s7 =	simm.s32 @p2 $0x1082  }
0x22: {  	[simem:s7], [sflag:s8] =	dma.local @!p0 [hbm:s6], $0xF7A  }
0x23: {  	s9 =	sor.u32 $0xD0000000, s2;
	s6 =	simm.s32 $0x108;
	_ =	swait.ge @!p0 [sflag:s8], $0x0  }
0x24: {  	s3 =	sadd.s32 $0x88, s3;
	s6 =	simm.s32 @!p1 $0x1082;
	[sflag:s4] =	ssyncset.s32 $0xFFFFF086  }
0x25: {  	[simem:s6], [sflag:s4] =	dma.local [hbm:s3], $0xF7A  }
0x26: {  	[smem:$0x3F9B] =	sst s1;
	(tag) =	ssettag s2;
	_ =	strace s9  }
0x27: {  	s1 =	sld [smem:$0x3FAB]  }
0x28: {  	s2 =	sld [smem:$0x3FAC]  }
0x29: {  	s4 =	sld [smem:$0x3FAE]  }
0x2a: {  	p0 =	seq.s32 s5, $0x0;
	s5 =	sld [smem:$0x3FAF]  }
0x2b: {  	s6 =	sld [smem:$0x3FB0]  }
0x2c: {  	s7 =	sld [smem:$0x3FB1]  }
0x2d: {  	s3 =	simm.s32 $0x108;
	s8 =	sld [smem:$0x3FB2]  }
0x2e: {  	s3 =	simm.s32 @!p0 $0x1082;
	s9 =	sld [smem:$0x3FB3]  }
0x2f: {  	lr =	sadd.s32 s0, s3;
	s0 =	sld [smem:$0x3FAA]  }
0x30: {  	s3 =	sld [smem:$0x3FAD]  }
0x31: {  	[smem:$0x3FB6] =	sst s10  }
0x32: {  	s10 =	sld [smem:$0x3FB4];
	_ =	sdelay $0x3  }
0x33: {  	p0 =	seq.s32 s10, $0x1;
	s10 =	sld [smem:$0x3FB6];
	_ =	sdelay $0x3  }
0x34: {  	[smem:$0x3FB6] =	sst s10  }
0x35: {  	s10 =	sld [smem:$0x3FB5];
	_ =	sdelay $0x3  }
0x36: {  	p1 =	seq.s32 s10, $0x1;
	s10 =	sld [smem:$0x3FB6];
	_ =	sdelay $0x3  }
0x37: {  	[smem:$0x3FB6] =	sst s10  }
0x38: {  	s10 =	sld [smem:$0x3FB7]  }
0x39: {  	_ = 	snop;
	(pc) =	sbr.ind lr, $3  }
0x3a: {  	_ = 	snop  }
0x3b: {  	_ = 	snop  }
0x3c: {  	p2 =	seq.s32 s10, $0x1;
	s10 =	sld [smem:$0x3FB6]  }
0x3d: {  	_ =	shalt  }
0x3e: {  	_ =	shalt  }
0x3f: {  	_ =	shalt  }
0x40: {  	_ =	shalt  }
0x41: {  	_ =	shalt  }
0x42: {  	_ =	shalt  }
0x43: {  	_ =	shalt  }
0x44: {  	_ =	shalt  }
0x45: {  	_ =	shalt  }
0x46: {  	_ =	shalt  }
0x47: {  	_ =	shalt  }
0x48: {  	_ =	shalt  }
0x49: {  	_ =	shalt  }
0x4a: {  	_ =	shalt  }
0x4b: {  	_ =	shalt  }
0x4c: {  	_ =	shalt  }
0x4d: {  	_ =	shalt  }
0x4e: {  	_ =	shalt  }
0x4f: {  	_ =	shalt  }
0x50: {  	_ =	shalt  }
0x51: {  	_ =	shalt  }
0x52: {  	_ =	shalt  }
0x53: {  	_ =	shalt  }
0x54: {  	_ =	shalt  }
0x55: {  	_ =	shalt  }
0x56: {  	_ =	shalt  }
0x57: {  	_ =	shalt  }
0x58: {  	_ =	shalt  }
0x59: {  	_ =	shalt  }
0x5a: {  	_ =	shalt  }
0x5b: {  	_ =	shalt  }
0x5c: {  	_ =	shalt  }
0x5d: {  	_ =	shalt  }
0x5e: {  	_ =	shalt  }
0x5f: {  	_ =	shalt  }
0x60: {  	_ =	shalt  }
0x61: {  	_ =	shalt  }
0x62: {  	_ =	shalt  }
0x63: {  	_ =	shalt  }
0x64: {  	_ =	shalt  }
0x65: {  	_ =	shalt  }
0x66: {  	_ =	shalt  }
0x67: {  	_ =	shalt  }
0x68: {  	_ =	shalt  }
0x69: {  	_ =	shalt  }
0x6a: {  	_ =	shalt  }
0x6b: {  	_ =	shalt  }
0x6c: {  	_ =	shalt  }
0x6d: {  	_ =	shalt  }
0x6e: {  	_ =	shalt  }
0x6f: {  	_ =	shalt  }
0x70: {  	_ =	shalt  }
0x71: {  	_ =	shalt  }
0x72: {  	_ =	shalt  }
0x73: {  	_ =	shalt  }
0x74: {  	_ =	shalt  }
0x75: {  	_ =	shalt  }
0x76: {  	_ =	shalt  }
0x77: {  	_ =	shalt  }
0x78: {  	_ =	shalt  }
0x79: {  	_ =	shalt  }
0x7a: {  	_ =	shalt  }
0x7b: {  	_ =	shalt  }
0x7c: {  	_ =	shalt  }
0x7d: {  	_ =	shalt  }
0x7e: {  	_ =	shalt  }
0x7f: {  	_ =	shalt  }
0x80: {  	_ =	shalt  }
0x81: {  	_ =	shalt  }
0x82: {  	_ =	shalt  }
0x83: {  	_ =	shalt  }
0x84: {  	_ =	shalt  }
0x85: {  	_ =	shalt  }
0x86: {  	_ =	shalt  }
0x87: {  	_ =	shalt  }
.Lfunc_end0:
.L_simem_size_0:
called_computation.2_lowered:
.L_overlay_start_0:
0x88: {  	s2 =	sld [smem:$0x3FD9]  }
0x89: {  	s3 =	sld [smem:$0x3FFE];
	_ =	sdelay $0x1  }
0x8a: {  	s1 =	srdreg.scid  }
0x8b: {  	s0 =	sand.u32 $0x1, s1  }
0x8c: {  	s16 =	sshll.u32 s0, $0xA;
	s2 =	sadd.s32 s3, s2  }
0x8d: {  	s2 =	sadd.s32 s2, s16  }
0x8e: {  	[smem:$0x3FC2] =	sst s2  }
0x8f: {  	_ = 	snop  }
0x90: {  	(tm) =	ssettm $0x1  }
0x91: {  	s17 =	sld [smem:$0x3FFB];
	_ =	sdelay $0x3  }
0x92: {  	_ =	strace s17  }
0x93: {  	s2 =	sld [smem:$0x3FFC];
	_ =	sdelay $0x3  }
0x94: {  	_ =	strace s2  }
0x95: {  	s2 =	sld [smem:$0x3FFD];
	_ =	sdelay $0x3  }
0x96: {  	_ =	strace s2  }
0x97: {  	_ =	strace $0x8FFFFFFF  }
0x98: {  	s18 =	sld [smem:$0x3FDB];
	_ =	sdelay $0x1  }
0x99: {  	s19 =	simm.s32 $_scs_section_size  }
0x9a: {  	s4 =	simm.s32 $_size__tile_overlayer_lowered;
	s5 =	simm.s32 $_tile_overlayer_lowered  }
0x9b: {  	s22 =	simm.s32 $0x1BFF;
	s21 =	sshll.u32 s5, $0x1;
	s2 =	sadd.s32 s19, s18  }
0x9c: {  	s6 =	simm.s32 $0x0;
	s20 =	sshll.u32 s4, $0x1;
	s4 =	sadd.s32 s21, s2  }
0x9d: {  	[timem:s6], [sflag:s22] =	dma.local [hbm:s4], s20  }
0x9e: {  	_ =	swait.ge [sflag:s22], s20  }
0x9f: {  	s3 =	ssub.s32 $0x0, s20;
	[sflag:s22] =	ssyncset.done $0x0  }
0xa0: {  	[sflag:s22] =	ssyncadd.s32 s3;
	_ =	sdelay $0x1  }
0xa1: {  	s23 =	simm.s32 $0x1B8B  }
0xa2: {  	_ =	swait.ge [sflag:s23], $0x1  }
0xa3: {  	[sflag:s23] =	ssyncset.done $0x0  }
0xa4: {  	s25 =	simm.s32 $0x1B8E;
	s24 =	sld [smem:$0x3FFE];
	[sflag:s23] =	ssyncadd.s32 $0xFFFFFFFF  }
0xa5: {  	s26 =	simm.s32 $execute0_lowered;
	[smem:$0x3FD2] =	sst s25  }
0xa6: {  	s4 =	sshll.u32 s26, $0x1;
	_ =	strace $0x8000004C;
	[dreg:$0x1] =	wrdreg $0xFFFFFFFF  }
0xa7: {  	s28 =	simm.s32 $_size_execute0_lowered;
	s2 =	sadd.s32 s2, s4;
	[dreg:$0x0] =	wrdreg $0x0  }
0xa8: {  	s4 =	sshll.u32 s28, $0x1;
	[dreg:$0x2] =	wrdreg s2  }
0xa9: {  	[dreg:$0x3] =	wrdreg s4  }
0xaa: {  	[dreg:$0x4] =	wrdreg $0xC0  }
0xab: {  	_ =	task [dreg:s6], $0x5FFFF  }
0xac: {  	[dreg:$0x1] =	wrdreg $0xFFFFFFFF  }
0xad: {  	[dreg:$0x0] =	wrdreg $0x60  }
0xae: {  	[dreg:$0x2] =	wrdreg s24  }
0xaf: {  	[dreg:$0x3] =	wrdreg $0x0  }
0xb0: {  	[dreg:$0x4] =	wrdreg $0x18800  }
0xb1: {  	[dreg:$0x5] =	wrdreg $0x9  }
0xb2: {  	_ =	task.clear_ibuf [dreg:s6], $0x6FFFF;
	_ =	strace $0x9000004C  }
0xb3: {  	s29 =	simm.s32 $0x9;
	_ =	strace $0x8000004E  }
0xb4: {  	_ =	swait.ge [sflag:s29], $0x1  }
0xb5: {  	[sflag:s29] =	ssyncadd.s32 $0xFFFFFFFF  }
0xb6: {  	_ =	strace $0x9000004E  }
0xb7: {  	_ =	sfence  }
0xb8: {  	s30 =	sld [smem:$0x0];
	_ =	sdelay $0x2  }
0xb9: {  	s31 =	sshll.u32 s1, $0xD;
	s1 =	sshrl.u32 s1, $0x2  }
0xba: {  	s3 =	sand.u32 $0x4000, s31;
	s1 =	sadd.s32 s1, s30  }
0xbb: {  	s0 =	sor.u32 s3, s0;
	s1 =	sshll.u32 s1, $0x11  }
0xbc: {  	s0 =	sor.u32 s1, s0  }
0xbd: {  	s0 =	sadd.s32 $0x8F2B, s0  }
0xbe: {  	[sflag:s0] =	ssyncadd.remote.s32 $0x1  }
0xbf: {  	_ =	sfence.sel $0xFFFF  }
0xc0: {  	[dreg:$0x0] =	wrdreg $0xFFFFFFFF;
	(pc) =	sbr.abs _section_cstart, $3  }
0xc1: {  	[dreg:$0x1] =	wrdreg $0xFFFFFFFF  }
0xc2: {  	_ =	task.clear_ibuf [dreg:s6], $0x2FFFF;
	_ =	strace $0x9FFFFFFF  }
0xc3: {  	(tm) =	ssettm $0x7FFFFFFF  }
tec
execute0_lowered:
.L_overlay_start_1:
0x0: {  	(tag) =	ssettag $0x1  }
0x1: {  	s0 =	rddreg [dreg:$0x0]  }
0x2: {  	s2 =	rddreg [dreg:$0x1]  }
0x3: {  	s3 =	rddreg [dreg:$0x2];
	s1 =	stileid.u32  }
0x4: {  	s5 =	srdreg.scid;
	s4 =	simm.s32 $0x0;
	s17 =	simm.s32 $0x3100  }
0x5: {  	s18 =	simm.s32 $0x1388;
	s19 =	simm.s32 $0x7F20;
	s20 =	simm.s32 $0x4488  }
0x6: {  	s21 =	simm.s32 $0x5810;
	s22 =	simm.s32 $0x92A8;
	s23 =	simm.s32 $0x1  }
0x7: {  	s24 =	simm.s32 $0x6B98;
	s28 =	simm.s32 $0x4;
	s29 =	simm.s32 $0x0  }
0x8: {  	s7 =	smul.u32 $0x1880, s1;
	s5 =	sand.u32 $0x1, s5;
	[smem:$0x7FF] =	sst s4  }
0x9: {  	s13 =	sadd.s32 $0xC6E00, s0;
	s12 =	sadd.s32 $0x3800, s0;
	s11 =	smul.u32 $0x30D40, s1  }
0xa: {  	s26 =	sshll.u32 s1, $0x6;
	s6 =	smul.u32 $0x18800, s5;
	_ =	strace $0x8000004D  }
0xb: {  	s9 =	ssub.s32 $0x2, s5;
	s10 =	smul.u32 $0x30D400, s5;
	s8 =	sshrl.u32 s7, $0x3  }
0xc: {  	s25 =	sshrl.u32 s9, $0x1;
	s14 =	sadd.s32 s7, s2;
	s16 =	sadd.s32 s7, s3  }
0xd: {  	s6 =	sadd.s32 s7, s6;
	s8 =	sadd.s32 s8, s0;
	s9 =	ssub.s32 s9, s25  }
0xe: {  	s10 =	sadd.s32 s11, s10;
	s14 =	sshrl.u32 s14, $0x3;
	s16 =	sshrl.u32 s16, $0x3  }
0xf: {  	s25 =	simm.s32 $0x2;
	s6 =	sshrl.u32 s6, $0x3;
	s30 =	sadd.s32 $0x18D600, s8  }
0x10: {  	s7 =	sadd.s32 $0x18A400, s8;
	s31 =	sshrl.u32 s10, $0x3;
	s11 =	sadd.s32 $0x1388, s10  }
0x11: {  	s9 =	smax.u32 s9, $0x1;
	s0 =	sadd.s32 s6, s0;
	[dreg:$0x4] =	wrdreg s30  }
0x12: {  	s6 =	sor.u32 $0x1C05, s26;
	s10 =	sadd.s32 s31, s12;
	s15 =	sshrl.u32 s11, $0x3  }
0x13: {  	s11 =	sadd.s32 s31, s13;
	s26 =	simm.s32 $0x3;
	s8 =	sadd.s32 $0x190800, s0  }
0x14: {  	s12 =	sadd.s32 s15, s12;
	s13 =	sadd.s32 s15, s13;
	s15 =	simm.s32 $0x5  }
.LBB2_1:
0x15: {  	s0 =	rddreg [dreg:$0x4]  }
0x16: {  	[spmem:s14], [sflag:s6] =	dma.local [hbm:s0], $0x310  }
0x17: {  	_ =	swait.ge [sflag:s15], $0x310  }
0x18: {  	[sflag:s15] =	ssyncset.done $0x0  }
0x19: {  	[sflag:s15] =	ssyncadd.s32 $0xFFFFFCF0  }
0x1a: {  	[spmem:s16], [sflag:s6] =	dma.local [hbm:s7], $0x310  }
0x1b: {  	_ =	swait.ge [sflag:s15], $0x310  }
0x1c: {  	[sflag:s15] =	ssyncset.done $0x0  }
0x1d: {  	[sflag:s15] =	ssyncadd.s32 $0xFFFFFCF0  }
0x1e: {  	s1 =	sadd.s32 $0x0, s11;
	[bflag:$0x0] =	sbarrier.arrive $0xFFFF  }
0x1f: {  	[tilespmem:s17], [sflag:$0x5] =	stream.linear.gather [hbm4b:s1+s4], $0x1388, $0x38;
	[tilespmem:$0xA630] =	vst v63  }
0x20: {  	_ =	swait.ge [sflag:s15], $0x1388  }
0x21: {  	[sflag:s15] =	ssyncset.done $0x0  }
0x22: {  	[sflag:s15] =	ssyncadd.s32 $0xFFFFEC78  }
0x23: {  	[tilespmem:s19], [sflag:$0x1] =	stream.indirect.gather [spmem:s2], $0x1, s17, s18, $0xb8;
	[tilespmem:$0xA630] =	vst v63  }
0x24: {  	s5 =	sadd.s32 $0x0, s10  }
0x25: {  	[tilespmem:s20], [sflag:$0x5] =	stream.linear.gather [hbm4b:s5+s4], $0x1388, $0x38;
	[tilespmem:$0xA630] =	vst v63  }
0x26: {  	_ =	swait.ge [sflag:s15], $0x1388  }
0x27: {  	[sflag:s15] =	ssyncset.done $0x0  }
0x28: {  	s1 =	sadd.s32 $0x0, s13;
	[sflag:s15] =	ssyncadd.s32 $0xFFFFEC78  }
0x29: {  	[tilespmem:s21], [sflag:$0x5] =	stream.linear.gather [hbm4b:s1+s4], $0x1388, $0x38;
	[tilespmem:$0xA630] =	vst v63  }
0x2a: {  	_ =	swait.ge [sflag:s15], $0x1388  }
0x2b: {  	[sflag:s15] =	ssyncset.done $0x0  }
0x2c: {  	[sflag:s15] =	ssyncadd.s32 $0xFFFFEC78  }
0x2d: {  	[tilespmem:s22], [sflag:$0x2] =	stream.indirect.gather [spmem:s2], $0x1, s21, s18, $0xb8;
	[tilespmem:$0xA630] =	vst v63  }
0x2e: {  	_ =	swait.ge [sflag:s23], $0x1388  }
0x2f: {  	[sflag:s23] =	ssyncset.done $0x0  }
0x30: {  	[sflag:s23] =	ssyncadd.s32 $0xFFFFEC78  }
0x31: {  	[spmem:s3] =	stream.indirect.scatter.add.f32 [tilespmem:s19], [sflag:$0x3], $0x1, s20, s18, $0xb8;
	[tilespmem:$0xA630] =	vst v63  }
0x32: {  	s5 =	sadd.s32 $0x0, s12  }
0x33: {  	[tilespmem:s24], [sflag:$0x5] =	stream.linear.gather [hbm4b:s5+s4], $0x1388, $0x38;
	[tilespmem:$0xA630] =	vst v63  }
0x34: {  	_ =	swait.ge [sflag:s15], $0x1388  }
0x35: {  	[sflag:s15] =	ssyncset.done $0x0  }
0x36: {  	[sflag:s15] =	ssyncadd.s32 $0xFFFFEC78  }
0x37: {  	_ =	swait.ge [sflag:s25], $0x1388  }
0x38: {  	[sflag:s25] =	ssyncset.done $0x0  }
0x39: {  	[sflag:s25] =	ssyncadd.s32 $0xFFFFEC78  }
0x3a: {  	[spmem:s3] =	stream.indirect.scatter.add.f32 [tilespmem:s22], [sflag:$0x4], $0x1, s24, s18, $0xb8;
	[tilespmem:$0xA630] =	vst v63  }
0x3b: {  	_ =	swait.ge [sflag:s26], $0x1388  }
0x3c: {  	[sflag:s26] =	ssyncset.done $0x0  }
0x3d: {  	[sflag:s26] =	ssyncadd.s32 $0xFFFFEC78  }
0x3e: {  	_ =	swait.ge [sflag:s28], $0x1388  }
0x3f: {  	s30 =	simm.s32 $0x4E2;
	s31 =	simm.s32 $0x9C4;
	[sflag:s28] =	ssyncset.done $0x0  }
.LBB2_2:
0x40: {  	s1 =	sadd.s32 s30, s11  }
0x41: {  	[sflag:s28] =	ssyncadd.s32 $0xFFFFEC78;
	s5 =	smov.u32 s31;
	s0 =	sadd.s32 $0x4E2, s31  }
0x42: {  	[tilespmem:s17], [sflag:$0x5] =	stream.linear.gather [hbm4b:s1+s4], $0x1388, $0x38;
	[tilespmem:$0xA630] =	vst v63  }
0x43: {  	p0 =	sne.s32 s31, $0x5CC6;
	_ =	swait.ge [sflag:s15], $0x1388  }
0x44: {  	[sflag:s15] =	ssyncset.done $0x0  }
0x45: {  	[sflag:s15] =	ssyncadd.s32 $0xFFFFEC78  }
0x46: {  	[tilespmem:s19], [sflag:$0x1] =	stream.indirect.gather [spmem:s2], $0x1, s17, s18, $0xb8;
	[tilespmem:$0xA630] =	vst v63  }
0x47: {  	s1 =	sadd.s32 s30, s10  }
0x48: {  	[tilespmem:s20], [sflag:$0x5] =	stream.linear.gather [hbm4b:s1+s4], $0x1388, $0x38;
	[tilespmem:$0xA630] =	vst v63  }
0x49: {  	_ =	swait.ge [sflag:s15], $0x1388  }
0x4a: {  	[sflag:s15] =	ssyncset.done $0x0  }
0x4b: {  	s1 =	sadd.s32 s30, s13;
	[sflag:s15] =	ssyncadd.s32 $0xFFFFEC78  }
0x4c: {  	[tilespmem:s21], [sflag:$0x5] =	stream.linear.gather [hbm4b:s1+s4], $0x1388, $0x38;
	[tilespmem:$0xA630] =	vst v63  }
0x4d: {  	_ =	swait.ge [sflag:s15], $0x1388  }
0x4e: {  	[sflag:s15] =	ssyncset.done $0x0  }
0x4f: {  	[sflag:s15] =	ssyncadd.s32 $0xFFFFEC78  }
0x50: {  	[tilespmem:s22], [sflag:$0x2] =	stream.indirect.gather [spmem:s2], $0x1, s21, s18, $0xb8;
	[tilespmem:$0xA630] =	vst v63  }
0x51: {  	_ =	swait.ge [sflag:s23], $0x1388  }
0x52: {  	[sflag:s23] =	ssyncset.done $0x0  }
0x53: {  	[sflag:s23] =	ssyncadd.s32 $0xFFFFEC78  }
0x54: {  	[spmem:s3] =	stream.indirect.scatter.add.f32 [tilespmem:s19], [sflag:$0x3], $0x1, s20, s18, $0xb8;
	[tilespmem:$0xA630] =	vst v63  }
0x55: {  	s1 =	sadd.s32 s30, s12;
	s30 =	smov.u32 s5  }
0x56: {  	[tilespmem:s24], [sflag:$0x5] =	stream.linear.gather [hbm4b:s1+s4], $0x1388, $0x38;
	[tilespmem:$0xA630] =	vst v63  }
0x57: {  	_ =	swait.ge [sflag:s15], $0x1388  }
0x58: {  	[sflag:s15] =	ssyncset.done $0x0  }
0x59: {  	[sflag:s15] =	ssyncadd.s32 $0xFFFFEC78  }
0x5a: {  	_ =	swait.ge [sflag:s25], $0x1388  }
0x5b: {  	[sflag:s25] =	ssyncset.done $0x0  }
0x5c: {  	[sflag:s25] =	ssyncadd.s32 $0xFFFFEC78  }
0x5d: {  	[spmem:s3] =	stream.indirect.scatter.add.f32 [tilespmem:s22], [sflag:$0x4], $0x1, s24, s18, $0xb8;
	[tilespmem:$0xA630] =	vst v63  }
.Ltmp0:
0x5e: {  	_ =	swait.ge [sflag:s26], $0x1388;
	(pc) =	sbr.rel @p0 .LBB2_2-.Ltmp0, $4  }
0x5f: {  	[sflag:s26] =	ssyncset.done $0x0  }
0x60: {  	[sflag:s26] =	ssyncadd.s32 $0xFFFFEC78  }
0x61: {  	_ =	swait.ge [sflag:s28], $0x1388  }
0x62: {  	s31 =	smov.u32 s0;
	[sflag:s28] =	ssyncset.done $0x0  }
0x63: {  	s0 =	sadd.s32 s30, s11;
	[sflag:s28] =	ssyncadd.s32 $0xFFFFEC78  }
0x64: {  	[tilespmem:s17], [sflag:$0x5] =	stream.linear.gather [hbm4b:s0+s4], $0x1388, $0x38;
	[tilespmem:$0xA630] =	vst v63  }
0x65: {  	_ =	swait.ge [sflag:s15], $0x1388  }
0x66: {  	[sflag:s15] =	ssyncset.done $0x0  }
0x67: {  	[sflag:s15] =	ssyncadd.s32 $0xFFFFEC78  }
0x68: {  	[tilespmem:s19], [sflag:$0x1] =	stream.indirect.gather [spmem:s2], $0x1, s17, s18, $0xb8;
	[tilespmem:$0xA630] =	vst v63  }
0x69: {  	s1 =	sadd.s32 s30, s10  }
0x6a: {  	[tilespmem:s20], [sflag:$0x5] =	stream.linear.gather [hbm4b:s1+s4], $0x1388, $0x38;
	[tilespmem:$0xA630] =	vst v63  }
0x6b: {  	_ =	swait.ge [sflag:s15], $0x1388  }
0x6c: {  	[sflag:s15] =	ssyncset.done $0x0  }
0x6d: {  	s5 =	sadd.s32 s30, s13;
	[sflag:s15] =	ssyncadd.s32 $0xFFFFEC78  }
0x6e: {  	[tilespmem:s21], [sflag:$0x5] =	stream.linear.gather [hbm4b:s5+s4], $0x1388, $0x38;
	[tilespmem:$0xA630] =	vst v63  }
0x6f: {  	_ =	swait.ge [sflag:s15], $0x1388  }
0x70: {  	[sflag:s15] =	ssyncset.done $0x0  }
0x71: {  	[sflag:s15] =	ssyncadd.s32 $0xFFFFEC78  }
0x72: {  	[tilespmem:s22], [sflag:$0x2] =	stream.indirect.gather [spmem:s2], $0x1, s21, s18, $0xb8;
	[tilespmem:$0xA630] =	vst v63  }
0x73: {  	_ =	swait.ge [sflag:s23], $0x1388  }
0x74: {  	[sflag:s23] =	ssyncset.done $0x0  }
0x75: {  	[sflag:s23] =	ssyncadd.s32 $0xFFFFEC78  }
0x76: {  	[spmem:s3] =	stream.indirect.scatter.add.f32 [tilespmem:s19], [sflag:$0x3], $0x1, s20, s18, $0xb8;
	[tilespmem:$0xA630] =	vst v63  }
0x77: {  	s31 =	sadd.s32 s30, s12  }
0x78: {  	[tilespmem:s24], [sflag:$0x5] =	stream.linear.gather [hbm4b:s31+s4], $0x1388, $0x38;
	[tilespmem:$0xA630] =	vst v63  }
0x79: {  	_ =	swait.ge [sflag:s15], $0x1388  }
0x7a: {  	[sflag:s15] =	ssyncset.done $0x0  }
0x7b: {  	[sflag:s15] =	ssyncadd.s32 $0xFFFFEC78  }
0x7c: {  	_ =	swait.ge [sflag:s25], $0x1388  }
0x7d: {  	[sflag:s25] =	ssyncset.done $0x0  }
0x7e: {  	[sflag:s25] =	ssyncadd.s32 $0xFFFFEC78  }
0x7f: {  	[spmem:s3] =	stream.indirect.scatter.add.f32 [tilespmem:s22], [sflag:$0x4], $0x1, s24, s18, $0xb8;
	[tilespmem:$0xA630] =	vst v63  }
0x80: {  	_ =	swait.ge [sflag:s26], $0x1388  }
0x81: {  	[sflag:s26] =	ssyncset.done $0x0  }
0x82: {  	[sflag:s26] =	ssyncadd.s32 $0xFFFFEC78  }
0x83: {  	_ =	swait.ge [sflag:s28], $0x1388  }
0x84: {  	s29 =	sadd.s32 $0x1, s29;
	[sflag:s28] =	ssyncset.done $0x0  }
0x85: {  	p0 =	sne.s32 s29, s9;
	[sflag:s28] =	ssyncadd.s32 $0xFFFFEC78  }
.Ltmp1:
0x86: {  	[bflag:$0x0] =	sbarrier.arrive $0xFFFF;
	(pc) =	sbr.rel @p0 .LBB2_1-.Ltmp1, $4  }
0x87: {  	[hbm:s8], [sflag:s6] =	dma.local [spmem:s16], $0x310  }
0x88: {  	_ =	swait.ge [sflag:s15], $0x310  }
0x89: {  	[sflag:s15] =	ssyncset.done $0x0  }
0x8a: {  	[sflag:s15] =	ssyncadd.s32 $0xFFFFFCF0  }
0x8b: {  	_ =	sfence.sel $0x180000  }
0x8c: {  	[bflag:$0x0] =	sbarrier.arrive $0xFFFF  }
0x8d: {  	_ =	strace $0x9000004D  }
0x8e: {  	s0 =	stileid.u32;
	[bflag:$0x2] =	sbarrier.arrive $0xFFFF  }
0x8f: {  	p0 =	sne.s32 s0, $0x0;
	s0 =	rddreg [dreg:$0x3]  }
0x90: {  	s0 =	sadd.s32 @!p0 $0x100000, s0  }
0x91: {  	[sflag:s0] =	ssyncadd.tile.s32 @!p0 $0x1;
	_ =	shalt  }
.Lfunc_end2:
_tile_overlayer_lowered:
.L_overlay_start_2:
0x92: {  	(tag) =	ssettag $0x2  }
0x93: {  	s0 =	rddreg [dreg:$0x0];
	s2 =	stileid.u32  }
0x94: {  	s1 =	rddreg [dreg:$0x1];
	p0 =	sne.s32 s2, $0x0  }
0x95: {  	s3 =	rddreg [dreg:$0x2];
	[bflag:$0x3] =	sbarrier.arrive $0xFFFF;
	s2 =	simm.s32 @!p0 $0x1C05  }
0x96: {  	[timem:s3], [sflag:s2] =	dma.local @!p0 [hbm:s0], s1  }
0x97: {  	s0 =	simm.s32 @!p0 $0x5  }
0x98: {  	_ =	swait.ge @!p0 [sflag:s0], s1  }
0x99: {  	s1 =	ssub.s32 @!p0 $0x0, s1;
	[sflag:s0] =	ssyncset.done @!p0 $0x0  }
0x9a: {  	[sflag:s0] =	ssyncadd.s32 @!p0 s1  }
0x9b: {  	[bflag:$0x3] =	sbarrier.arrive $0xFFFF  }
0x9c: {  	_ =	shalt  }

// kernel: kernel.8.cloned.1.call-start
scs
__scs_entry_jumppad:
0x0: {  	(pc) =	sbr.rel $0x88, $3  }
0x1: {  	(tag) =	ssettag $0x0;
	lr =	simm.s32 $0x1  }
0x2: {  	[smem:$0x3F9B] =	sst lr;
	_ =	strace $0xD0000000  }
0x3: {  	_ = 	snop  }
0x4: {  	_ = 	snop  }
0x5: {  	_ = 	snop  }
0x6: {  	_ = 	snop  }
0x7: {  	_ = 	snop  }
__scs_overlays_trampoline_lowered:
0x8: {  	[smem:$0x3FAA] =	sst s0  }
0x9: {  	[smem:$0x3FAB] =	sst s1  }
0xa: {  	[smem:$0x3FAC] =	sst s2  }
0xb: {  	[smem:$0x3FAD] =	sst s3  }
0xc: {  	[smem:$0x3FAE] =	sst s4  }
0xd: {  	[smem:$0x3FAF] =	sst s5  }
0xe: {  	[smem:$0x3FB0] =	sst s6  }
0xf: {  	[smem:$0x3FB1] =	sst s7  }
0x10: {  	[smem:$0x3FB2] =	sst s8  }
0x11: {  	[smem:$0x3FB3] =	sst s9;
	s0 =	simm.s32 @!p0 $0x0  }
0x12: {  	s1 =	sld [smem:$0x3F99];
	s0 =	simm.s32 @p0 $0x1  }
0x13: {  	[smem:$0x3FB4] =	sst s0;
	s0 =	simm.s32 @!p1 $0x0  }
0x14: {  	s2 =	sld [smem:$0x3F98];
	s0 =	simm.s32 @p1 $0x1  }
0x15: {  	[smem:$0x3FB5] =	sst s0;
	s0 =	simm.s32 @!p2 $0x0  }
0x16: {  	s3 =	sld [smem:$0x3FDB];
	s0 =	simm.s32 @p2 $0x1  }
0x17: {  	s4 =	simm.s32 $0x1BF5;
	[smem:$0x3FB7] =	sst s0  }
0x18: {  	s0 =	sld [smem:$0x3F9A];
	_ =	swait.ge [sflag:s4], $0x0  }
0x19: {  	s7 =	sld [smem:$0x3F9B]  }
0x1a: {  	s8 =	sadd.s32 $0xFFFFE003, lr  }
0x1b: {  	s9 =	sadd.s32 $0xFFFFFEF7, lr;
	s5 =	simm.s32 $0xFFFFFFFF;
	p2 =	slt.u32 s8, $0xFFFFF086  }
0x1c: {  	p1 =	slt.u32 s9, $0xF7A;
	s5 =	simm.s32 @!p2 $0x0  }
0x1d: {  	s5 =	simm.s32 @p1 $0x1;
	p0 =	seq.s32 s7, s2  }
0x1e: {  	s7 =	smul.u32 @!p0 $0xF7A, s2;
	p2 =	seq.s32 @!p0 s5, $0x0  }
0x1f: {  	s9 =	smul.u32 $0xF7A, s1;
	s8 =	simm.s32 @!p0 $0x1BF5;
	p2 =	por !p2, p0  }
0x20: {  	[sflag:s8] =	ssyncset.s32 @!p0 $0xFFFFF086;
	s6 =	sadd.s32 @!p0 s3, s7;
	s7 =	simm.s32 @!p0 $0x108  }
0x21: {  	s3 =	sadd.s32 s3, s9;
	s6 =	sadd.s32 @!p0 $0x88, s6;
	s7 =	simm.s32 @p2 $0x1082  }
0x22: {  	[simem:s7], [sflag:s8] =	dma.local @!p0 [hbm:s6], $0xF7A  }
0x23: {  	s9 =	sor.u32 $0xD0000000, s2;
	s6 =	simm.s32 $0x108;
	_ =	swait.ge @!p0 [sflag:s8], $0x0  }
0x24: {  	s3 =	sadd.s32 $0x88, s3;
	s6 =	simm.s32 @!p1 $0x1082;
	[sflag:s4] =	ssyncset.s32 $0xFFFFF086  }
0x25: {  	[simem:s6], [sflag:s4] =	dma.local [hbm:s3], $0xF7A  }
0x26: {  	[smem:$0x3F9B] =	sst s1;
	(tag) =	ssettag s2;
	_ =	strace s9  }
0x27: {  	s1 =	sld [smem:$0x3FAB]  }
0x28: {  	s2 =	sld [smem:$0x3FAC]  }
0x29: {  	s4 =	sld [smem:$0x3FAE]  }
0x2a: {  	p0 =	seq.s32 s5, $0x0;
	s5 =	sld [smem:$0x3FAF]  }
0x2b: {  	s6 =	sld [smem:$0x3FB0]  }
0x2c: {  	s7 =	sld [smem:$0x3FB1]  }
0x2d: {  	s3 =	simm.s32 $0x108;
	s8 =	sld [smem:$0x3FB2]  }
0x2e: {  	s3 =	simm.s32 @!p0 $0x1082;
	s9 =	sld [smem:$0x3FB3]  }
0x2f: {  	lr =	sadd.s32 s0, s3;
	s0 =	sld [smem:$0x3FAA]  }
0x30: {  	s3 =	sld [smem:$0x3FAD]  }
0x31: {  	[smem:$0x3FB6] =	sst s10  }
0x32: {  	s10 =	sld [smem:$0x3FB4];
	_ =	sdelay $0x3  }
0x33: {  	p0 =	seq.s32 s10, $0x1;
	s10 =	sld [smem:$0x3FB6];
	_ =	sdelay $0x3  }
0x34: {  	[smem:$0x3FB6] =	sst s10  }
0x35: {  	s10 =	sld [smem:$0x3FB5];
	_ =	sdelay $0x3  }
0x36: {  	p1 =	seq.s32 s10, $0x1;
	s10 =	sld [smem:$0x3FB6];
	_ =	sdelay $0x3  }
0x37: {  	[smem:$0x3FB6] =	sst s10  }
0x38: {  	s10 =	sld [smem:$0x3FB7]  }
0x39: {  	_ = 	snop;
	(pc) =	sbr.ind lr, $3  }
0x3a: {  	_ = 	snop  }
0x3b: {  	_ = 	snop  }
0x3c: {  	p2 =	seq.s32 s10, $0x1;
	s10 =	sld [smem:$0x3FB6]  }
0x3d: {  	_ =	shalt  }
0x3e: {  	_ =	shalt  }
0x3f: {  	_ =	shalt  }
0x40: {  	_ =	shalt  }
0x41: {  	_ =	shalt  }
0x42: {  	_ =	shalt  }
0x43: {  	_ =	shalt  }
0x44: {  	_ =	shalt  }
0x45: {  	_ =	shalt  }
0x46: {  	_ =	shalt  }
0x47: {  	_ =	shalt  }
0x48: {  	_ =	shalt  }
0x49: {  	_ =	shalt  }
0x4a: {  	_ =	shalt  }
0x4b: {  	_ =	shalt  }
0x4c: {  	_ =	shalt  }
0x4d: {  	_ =	shalt  }
0x4e: {  	_ =	shalt  }
0x4f: {  	_ =	shalt  }
0x50: {  	_ =	shalt  }
0x51: {  	_ =	shalt  }
0x52: {  	_ =	shalt  }
0x53: {  	_ =	shalt  }
0x54: {  	_ =	shalt  }
0x55: {  	_ =	shalt  }
0x56: {  	_ =	shalt  }
0x57: {  	_ =	shalt  }
0x58: {  	_ =	shalt  }
0x59: {  	_ =	shalt  }
0x5a: {  	_ =	shalt  }
0x5b: {  	_ =	shalt  }
0x5c: {  	_ =	shalt  }
0x5d: {  	_ =	shalt  }
0x5e: {  	_ =	shalt  }
0x5f: {  	_ =	shalt  }
0x60: {  	_ =	shalt  }
0x61: {  	_ =	shalt  }
0x62: {  	_ =	shalt  }
0x63: {  	_ =	shalt  }
0x64: {  	_ =	shalt  }
0x65: {  	_ =	shalt  }
0x66: {  	_ =	shalt  }
0x67: {  	_ =	shalt  }
0x68: {  	_ =	shalt  }
0x69: {  	_ =	shalt  }
0x6a: {  	_ =	shalt  }
0x6b: {  	_ =	shalt  }
0x6c: {  	_ =	shalt  }
0x6d: {  	_ =	shalt  }
0x6e: {  	_ =	shalt  }
0x6f: {  	_ =	shalt  }
0x70: {  	_ =	shalt  }
0x71: {  	_ =	shalt  }
0x72: {  	_ =	shalt  }
0x73: {  	_ =	shalt  }
0x74: {  	_ =	shalt  }
0x75: {  	_ =	shalt  }
0x76: {  	_ =	shalt  }
0x77: {  	_ =	shalt  }
0x78: {  	_ =	shalt  }
0x79: {  	_ =	shalt  }
0x7a: {  	_ =	shalt  }
0x7b: {  	_ =	shalt  }
0x7c: {  	_ =	shalt  }
0x7d: {  	_ =	shalt  }
0x7e: {  	_ =	shalt  }
0x7f: {  	_ =	shalt  }
0x80: {  	_ =	shalt  }
0x81: {  	_ =	shalt  }
0x82: {  	_ =	shalt  }
0x83: {  	_ =	shalt  }
0x84: {  	_ =	shalt  }
0x85: {  	_ =	shalt  }
0x86: {  	_ =	shalt  }
0x87: {  	_ =	shalt  }
.Lfunc_end0:
.L_simem_size_0:
called_computation_lowered:
.L_overlay_start_0:
0x88: {  	s2 =	sld [smem:$0x3FD9]  }
0x89: {  	s3 =	sld [smem:$0x3FFE];
	_ =	sdelay $0x1  }
0x8a: {  	s1 =	srdreg.scid  }
0x8b: {  	s0 =	sand.u32 $0x1, s1  }
0x8c: {  	s17 =	sshll.u32 s0, $0xA;
	s2 =	sadd.s32 s3, s2  }
0x8d: {  	s2 =	sadd.s32 s2, s17  }
0x8e: {  	[smem:$0x3FC2] =	sst s2  }
0x8f: {  	_ = 	snop  }
0x90: {  	s2 =	sld [smem:$0x3FD0];
	(tm) =	ssettm $0x1  }
0x91: {  	s18 =	sld [smem:$0x3FFB];
	_ =	sdelay $0x3  }
0x92: {  	_ =	strace s18  }
0x93: {  	s3 =	sld [smem:$0x3FFC];
	_ =	sdelay $0x3  }
0x94: {  	_ =	strace s3  }
0x95: {  	s3 =	sld [smem:$0x3FFD];
	_ =	sdelay $0x3  }
0x96: {  	_ =	strace s3  }
0x97: {  	_ =	strace $0x8FFFFFFF  }
0x98: {  	s19 =	sld [smem:$0x3FDB];
	_ =	sdelay $0x1  }
0x99: {  	s4 =	simm.s32 $_scs_section_size  }
0x9a: {  	s5 =	simm.s32 $_size__tile_overlayer_lowered;
	s6 =	simm.s32 $_tile_overlayer_lowered  }
0x9b: {  	s22 =	simm.s32 $0x1BFF;
	s21 =	sshll.u32 s6, $0x1;
	s3 =	sadd.s32 s4, s19  }
0x9c: {  	s7 =	simm.s32 $0x0;
	s20 =	sshll.u32 s5, $0x1;
	s5 =	sadd.s32 s21, s3  }
0x9d: {  	[timem:s7], [sflag:s22] =	dma.local [hbm:s5], s20  }
0x9e: {  	_ =	swait.ge [sflag:s22], s20  }
0x9f: {  	s4 =	ssub.s32 $0x0, s20;
	[sflag:s22] =	ssyncset.done $0x0  }
0xa0: {  	[sflag:s22] =	ssyncadd.s32 s4;
	_ =	sdelay $0x1  }
0xa1: {  	s23 =	simm.s32 $0x1B8B  }
0xa2: {  	_ =	swait.ge [sflag:s23], $0x1  }
0xa3: {  	[sflag:s23] =	ssyncset.done $0x0  }
0xa4: {  	s25 =	simm.s32 $0x1B8E;
	s24 =	sld [smem:$0x3FFE];
	[sflag:s23] =	ssyncadd.s32 $0xFFFFFFFF  }
0xa5: {  	s26 =	simm.s32 $execute0_lowered;
	[smem:$0x3FD2] =	sst s25  }
0xa6: {  	s5 =	sshll.u32 s26, $0x1;
	_ =	strace $0x80000046;
	[dreg:$0x1] =	wrdreg $0xFFFFFFFF  }
0xa7: {  	s28 =	simm.s32 $_size_execute0_lowered;
	s3 =	sadd.s32 s3, s5;
	[dreg:$0x0] =	wrdreg $0x0  }
0xa8: {  	s5 =	sshll.u32 s28, $0x1;
	[dreg:$0x2] =	wrdreg s3  }
0xa9: {  	[dreg:$0x3] =	wrdreg s5  }
0xaa: {  	[dreg:$0x4] =	wrdreg $0xC0  }
0xab: {  	_ =	task [dreg:s7], $0x5FFFF  }
0xac: {  	[dreg:$0x1] =	wrdreg $0xFFFFFFFF  }
0xad: {  	[dreg:$0x0] =	wrdreg $0x60  }
0xae: {  	[dreg:$0x2] =	wrdreg s24  }
0xaf: {  	[dreg:$0x3] =	wrdreg s2  }
0xb0: {  	[dreg:$0x4] =	wrdreg $0x0  }
0xb1: {  	[dreg:$0x5] =	wrdreg $0x9  }
0xb2: {  	_ =	task.clear_ibuf [dreg:s7], $0x6FFFF;
	_ =	strace $0x90000046  }
0xb3: {  	s29 =	simm.s32 $0x9;
	_ =	strace $0x80000048  }
0xb4: {  	_ =	swait.ge [sflag:s29], $0x1  }
0xb5: {  	[sflag:s29] =	ssyncadd.s32 $0xFFFFFFFF  }
0xb6: {  	_ =	strace $0x90000048  }
0xb7: {  	_ =	sfence  }
0xb8: {  	s30 =	sld [smem:$0x0];
	_ =	sdelay $0x2  }
0xb9: {  	s31 =	sshll.u32 s1, $0xD;
	s1 =	sshrl.u32 s1, $0x2  }
0xba: {  	s3 =	sand.u32 $0x4000, s31;
	s1 =	sadd.s32 s1, s30  }
0xbb: {  	s0 =	sor.u32 s3, s0;
	s1 =	sshll.u32 s1, $0x11  }
0xbc: {  	s0 =	sor.u32 s1, s0  }
0xbd: {  	s0 =	sadd.s32 $0x8F2B, s0  }
0xbe: {  	[sflag:s0] =	ssyncadd.remote.s32 $0x1  }
0xbf: {  	_ =	sfence.sel $0xFFFF  }
0xc0: {  	[dreg:$0x0] =	wrdreg $0xFFFFFFFF;
	(pc) =	sbr.abs _section_cstart, $3  }
0xc1: {  	[dreg:$0x1] =	wrdreg $0xFFFFFFFF  }
0xc2: {  	_ =	task.clear_ibuf [dreg:s7], $0x2FFFF;
	_ =	strace $0x9FFFFFFF  }
0xc3: {  	(tm) =	ssettm $0x7FFFFFFF  }
tec
execute0_lowered:
.L_overlay_start_1:
0x0: {  	(tag) =	ssettag $0x1  }
0x1: {  	s5 =	rddreg [dreg:$0x0]  }
0x2: {  	s2 =	rddreg [dreg:$0x1]  }
0x3: {  	s3 =	rddreg [dreg:$0x2]  }
0x4: {  	s0 =	rddreg [dreg:$0x3];
	s1 =	stileid.u32  }
0x5: {  	s6 =	srdreg.scid;
	s4 =	simm.s32 $0x0;
	s15 =	simm.s32 $0x1388  }
0x6: {  	s16 =	simm.s32 $0x2C08;
	s17 =	simm.s32 $0x1;
	s18 =	simm.s32 $0x2  }
0x7: {  	s19 =	simm.s32 $0x0;
	s7 =	smul.u32 $0x1880, s1;
	s6 =	sand.u32 $0x1, s6  }
0x8: {  	[smem:$0x7FF] =	sst s4;
	s10 =	sadd.s32 $0x3800, s5;
	s13 =	smul.u32 $0x30D40, s1  }
0x9: {  	s30 =	sshll.u32 s1, $0x6;
	s8 =	smul.u32 $0x18800, s6;
	_ =	strace $0x80000047  }
0xa: {  	s11 =	ssub.s32 $0x2, s6;
	s6 =	smul.u32 $0x30D400, s6;
	s9 =	sshrl.u32 s7, $0x3  }
0xb: {  	s12 =	sshrl.u32 s11, $0x1;
	s29 =	sadd.s32 s7, s3;
	s8 =	sadd.s32 s7, s8  }
0xc: {  	s9 =	sadd.s32 s9, s5;
	s11 =	ssub.s32 s11, s12;
	s13 =	sadd.s32 s13, s6  }
0xd: {  	s6 =	sor.u32 $0x1C03, s30;
	s12 =	simm.s32 $0x3;
	s8 =	sshrl.u32 s8, $0x3  }
0xe: {  	s31 =	sadd.s32 $0x1388, s13;
	s13 =	sshrl.u32 s13, $0x3;
	s8 =	sadd.s32 s8, s5  }
0xf: {  	s5 =	sadd.s32 $0x18A400, s9;
	s14 =	sshrl.u32 s31, $0x3;
	s9 =	sadd.s32 s13, s10  }
0x10: {  	s13 =	simm.s32 $0x3F90;
	s7 =	sadd.s32 $0x18D600, s8;
	s8 =	smax.u32 s11, $0x1  }
0x11: {  	s10 =	sadd.s32 s14, s10;
	s11 =	sshrl.u32 s29, $0x3;
	s14 =	simm.s32 $0x1880  }
.LBB2_1:
0x12: {  	[spmem:s11], [sflag:s6] =	dma.local [hbm:s5], $0x310  }
0x13: {  	_ =	swait.ge [sflag:s12], $0x310  }
0x14: {  	[sflag:s12] =	ssyncset.done $0x0  }
0x15: {  	[sflag:s12] =	ssyncadd.s32 $0xFFFFFCF0  }
0x16: {  	[tilespmem:s13], [sflag:$0x3] =	stream.linear.gather [hbm4b:s2+s4], $0x1388, $0x38;
	[tilespmem:$0x5318] =	vst v63  }
0x17: {  	_ =	swait.ge [sflag:s12], $0x1388  }
0x18: {  	[sflag:s12] =	ssyncset.done $0x0  }
0x19: {  	[sflag:s12] =	ssyncadd.s32 $0xFFFFEC78  }
0x1a: {  	s20 =	sadd.s32 $0x0, s9;
	[bflag:$0x0] =	sbarrier.arrive $0xFFFF  }
0x1b: {  	[tilespmem:s14], [sflag:$0x3] =	stream.linear.gather [hbm4b:s20+s4], $0x1388, $0x38;
	[tilespmem:$0x5318] =	vst v63  }
0x1c: {  	_ =	swait.ge [sflag:s12], $0x1388  }
0x1d: {  	[sflag:s12] =	ssyncset.done $0x0  }
0x1e: {  	[sflag:s12] =	ssyncadd.s32 $0xFFFFEC78  }
0x1f: {  	[spmem:s3] =	stream.indirect.scatter.add.f32 [tilespmem:s13], [sflag:$0x1], $0x1, s14, s15, $0xb8;
	[tilespmem:$0x5318] =	vst v63  }
0x20: {  	s31 =	sadd.s32 $0x0, s10  }
0x21: {  	[tilespmem:s16], [sflag:$0x3] =	stream.linear.gather [hbm4b:s31+s4], $0x1388, $0x38;
	[tilespmem:$0x5318] =	vst v63  }
0x22: {  	_ =	swait.ge [sflag:s12], $0x1388  }
0x23: {  	[sflag:s12] =	ssyncset.done $0x0  }
0x24: {  	[sflag:s12] =	ssyncadd.s32 $0xFFFFEC78  }
0x25: {  	[spmem:s3] =	stream.indirect.scatter.add.f32 [tilespmem:s13], [sflag:$0x2], $0x1, s16, s15, $0xb8;
	[tilespmem:$0x5318] =	vst v63  }
0x26: {  	_ =	swait.ge [sflag:s17], $0x1388  }
0x27: {  	[sflag:s17] =	ssyncset.done $0x0  }
0x28: {  	[sflag:s17] =	ssyncadd.s32 $0xFFFFEC78  }
0x29: {  	_ =	swait.ge [sflag:s18], $0x1388  }
0x2a: {  	s21 =	simm.s32 $0x9C4;
	s20 =	simm.s32 $0x4E2;
	[sflag:s18] =	ssyncset.done $0x0  }
.LBB2_2:
0x2b: {  	s22 =	sadd.s32 s20, s9  }
0x2c: {  	[sflag:s18] =	ssyncadd.s32 $0xFFFFEC78;
	s23 =	smov.u32 s21;
	s24 =	sadd.s32 $0x4E2, s21  }
0x2d: {  	[tilespmem:s14], [sflag:$0x3] =	stream.linear.gather [hbm4b:s22+s4], $0x1388, $0x38;
	[tilespmem:$0x5318] =	vst v63  }
0x2e: {  	p0 =	sne.s32 s21, $0x5CC6;
	_ =	swait.ge [sflag:s12], $0x1388  }
0x2f: {  	[sflag:s12] =	ssyncset.done $0x0  }
0x30: {  	[sflag:s12] =	ssyncadd.s32 $0xFFFFEC78  }
0x31: {  	[spmem:s3] =	stream.indirect.scatter.add.f32 [tilespmem:s13], [sflag:$0x1], $0x1, s14, s15, $0xb8;
	[tilespmem:$0x5318] =	vst v63  }
0x32: {  	s21 =	sadd.s32 s20, s10;
	s20 =	smov.u32 s23  }
0x33: {  	[tilespmem:s16], [sflag:$0x3] =	stream.linear.gather [hbm4b:s21+s4], $0x1388, $0x38;
	[tilespmem:$0x5318] =	vst v63  }
0x34: {  	_ =	swait.ge [sflag:s12], $0x1388  }
0x35: {  	[sflag:s12] =	ssyncset.done $0x0  }
0x36: {  	[sflag:s12] =	ssyncadd.s32 $0xFFFFEC78  }
0x37: {  	[spmem:s3] =	stream.indirect.scatter.add.f32 [tilespmem:s13], [sflag:$0x2], $0x1, s16, s15, $0xb8;
	[tilespmem:$0x5318] =	vst v63  }
.Ltmp0:
0x38: {  	_ =	swait.ge [sflag:s17], $0x1388;
	(pc) =	sbr.rel @p0 .LBB2_2-.Ltmp0, $4  }
0x39: {  	[sflag:s17] =	ssyncset.done $0x0  }
0x3a: {  	[sflag:s17] =	ssyncadd.s32 $0xFFFFEC78  }
0x3b: {  	_ =	swait.ge [sflag:s18], $0x1388  }
0x3c: {  	s21 =	smov.u32 s24;
	[sflag:s18] =	ssyncset.done $0x0  }
0x3d: {  	s21 =	sadd.s32 s20, s9;
	[sflag:s18] =	ssyncadd.s32 $0xFFFFEC78  }
0x3e: {  	[tilespmem:s14], [sflag:$0x3] =	stream.linear.gather [hbm4b:s21+s4], $0x1388, $0x38;
	[tilespmem:$0x5318] =	vst v63  }
0x3f: {  	_ =	swait.ge [sflag:s12], $0x1388  }
0x40: {  	[sflag:s12] =	ssyncset.done $0x0  }
0x41: {  	[sflag:s12] =	ssyncadd.s32 $0xFFFFEC78  }
0x42: {  	[spmem:s3] =	stream.indirect.scatter.add.f32 [tilespmem:s13], [sflag:$0x1], $0x1, s14, s15, $0xb8;
	[tilespmem:$0x5318] =	vst v63  }
0x43: {  	s31 =	sadd.s32 s20, s10  }
0x44: {  	[tilespmem:s16], [sflag:$0x3] =	stream.linear.gather [hbm4b:s31+s4], $0x1388, $0x38;
	[tilespmem:$0x5318] =	vst v63  }
0x45: {  	_ =	swait.ge [sflag:s12], $0x1388  }
0x46: {  	[sflag:s12] =	ssyncset.done $0x0  }
0x47: {  	[sflag:s12] =	ssyncadd.s32 $0xFFFFEC78  }
0x48: {  	[spmem:s3] =	stream.indirect.scatter.add.f32 [tilespmem:s13], [sflag:$0x2], $0x1, s16, s15, $0xb8;
	[tilespmem:$0x5318] =	vst v63  }
0x49: {  	_ =	swait.ge [sflag:s17], $0x1388  }
0x4a: {  	[sflag:s17] =	ssyncset.done $0x0  }
0x4b: {  	[sflag:s17] =	ssyncadd.s32 $0xFFFFEC78  }
0x4c: {  	_ =	swait.ge [sflag:s18], $0x1388  }
0x4d: {  	s19 =	sadd.s32 $0x1, s19;
	[sflag:s18] =	ssyncset.done $0x0  }
0x4e: {  	p0 =	sne.s32 s19, s8;
	[sflag:s18] =	ssyncadd.s32 $0xFFFFEC78  }
.Ltmp1:
0x4f: {  	[bflag:$0x0] =	sbarrier.arrive $0xFFFF;
	(pc) =	sbr.rel @p0 .LBB2_1-.Ltmp1, $4  }
0x50: {  	[hbm:s7], [sflag:s6] =	dma.local [spmem:s11], $0x310  }
0x51: {  	_ =	swait.ge [sflag:s12], $0x310  }
0x52: {  	[sflag:s12] =	ssyncset.done $0x0  }
0x53: {  	[sflag:s12] =	ssyncadd.s32 $0xFFFFFCF0  }
0x54: {  	_ =	sfence.sel $0x180000  }
0x55: {  	[bflag:$0x0] =	sbarrier.arrive $0xFFFF  }
0x56: {  	p0 =	sne.s32 s1, $0x0;
	_ =	strace $0x90000047  }
0x57: {  	s0 =	sadd.s32 @!p0 $0x100000, s0;
	[bflag:$0x2] =	sbarrier.arrive $0xFFFF  }
0x58: {  	[sflag:s0] =	ssyncadd.tile.s32 @!p0 $0x1;
	_ =	shalt  }
.Lfunc_end2:
_tile_overlayer_lowered:
.L_overlay_start_2:
0x59: {  	(tag) =	ssettag $0x2  }
0x5a: {  	s0 =	rddreg [dreg:$0x0];
	s2 =	stileid.u32  }
0x5b: {  	s1 =	rddreg [dreg:$0x1];
	p0 =	sne.s32 s2, $0x0  }
0x5c: {  	s3 =	rddreg [dreg:$0x2];
	[bflag:$0x3] =	sbarrier.arrive $0xFFFF;
	s2 =	simm.s32 @!p0 $0x1C03  }
0x5d: {  	[timem:s3], [sflag:s2] =	dma.local @!p0 [hbm:s0], s1  }
0x5e: {  	s0 =	simm.s32 @!p0 $0x3  }
0x5f: {  	_ =	swait.ge @!p0 [sflag:s0], s1  }
0x60: {  	s1 =	ssub.s32 @!p0 $0x0, s1;
	[sflag:s0] =	ssyncset.done @!p0 $0x0  }
0x61: {  	[sflag:s0] =	ssyncadd.s32 @!p0 s1  }
0x62: {  	[bflag:$0x3] =	sbarrier.arrive $0xFFFF  }
0x63: {  	_ =	shalt  }

</sc_bundles>
